<compile_context>
chip_gen: v7x
topology: tpu7x:2x2x1
jax: 0.10.2.dev20260603
libtpu: 0.0.44.dev20260713+nightly
codegen_flags: <defaults>
</compile_context>

<pallas_src>
import functools

import jax
import jax.numpy as jnp
from jax import lax
from jax.experimental import pallas as pl
from jax.experimental.pallas import tpu as pltpu
from jax.experimental.pallas import tpu_sc as plsc

N = 10000
D = 128
NC = 2
NS = 16
NW = NC * NS
CH = 81
EPW = CH * 128
EPAD = NW * EPW
RPT = 632
NPAD = NS * RPT
DUMMY = N
BN = 2000
GRID = N // BN


def _kan_math(z, params_ref, wse_ref, wb_ref):
    g0 = params_ref[0]
    g1 = params_ref[1]
    a = params_ref[2]
    d0 = z - g0
    d1 = z - g1
    e01 = jnp.concatenate([jnp.exp(a * d0 * d0), jnp.exp(a * d1 * d1)], axis=1)
    sil = z * jax.nn.sigmoid(z)
    o = jnp.dot(e01, wse_ref[...])
    o = o + jnp.dot(sil, wb_ref[...])
    return o


def _mean_norm(pp_ref, cc_ref):
    s = pp_ref[0] + pp_ref[1]
    c = jnp.maximum(cc_ref[0] + cc_ref[1], 1.0)
    h = s / c
    mu = jnp.mean(h, axis=1, keepdims=True)
    d = h - mu
    var = jnp.mean(d * d, axis=1, keepdims=True)
    return d * lax.rsqrt(var + 1e-5)


def _kan_body(params_ref, z_ref, wse_ref, wb_ref, out_ref):
    out_ref[...] = _kan_math(z_ref[...], params_ref, wse_ref, wb_ref)


def _norm_kan_body(params_ref, pp_ref, cc_ref, wse_ref, wb_ref, out_ref):
    z = _mean_norm(pp_ref, cc_ref)
    out_ref[...] = _kan_math(z, params_ref, wse_ref, wb_ref)


def _norm_kan_lsm_body(params_ref, pp_ref, cc_ref, wse_ref, wb_ref, out_ref):
    z = _mean_norm(pp_ref, cc_ref)
    o = _kan_math(z, params_ref, wse_ref, wb_ref)
    m = jnp.max(o, axis=1, keepdims=True)
    e = o - m
    out_ref[...] = e - jnp.log(jnp.sum(jnp.exp(e), axis=1, keepdims=True))


_W_SPEC = pl.BlockSpec((D, D), lambda i: (0, 0))
_W2_SPEC = pl.BlockSpec((2 * D, D), lambda i: (0, 0))
_ROW_SPEC = pl.BlockSpec((BN, D), lambda i: (i, 0))
_P_SPEC = pl.BlockSpec(memory_space=pltpu.SMEM)


def _kan_call(params, z, wse, wb):
    return pl.pallas_call(
        _kan_body,
        grid=(GRID,),
        in_specs=[_P_SPEC, _ROW_SPEC, _W2_SPEC, _W_SPEC],
        out_specs=_ROW_SPEC,
        out_shape=jax.ShapeDtypeStruct((N, D), jnp.float32),
    )(params, z, wse, wb)


def _norm_kan_call(body, params, pp, cc, wse, wb):
    return pl.pallas_call(
        body,
        grid=(GRID,),
        in_specs=[
            _P_SPEC,
            pl.BlockSpec((NC, BN, D), lambda i: (0, i, 0)),
            pl.BlockSpec((NC, BN, 1), lambda i: (0, i, 0)),
            _W2_SPEC, _W_SPEC,
        ],
        out_specs=_ROW_SPEC,
        out_shape=jax.ShapeDtypeStruct((N, D), jnp.float32),
    )(params, pp, cc, wse, wb)


@functools.lru_cache(maxsize=2)
def _make_seg(with_cnt):
    mesh = plsc.VectorSubcoreMesh(
        core_axis_name="c", subcore_axis_name="s", num_cores=NC, num_subcores=NS
    )

    out_type = [jax.ShapeDtypeStruct((NC, NPAD, D), jnp.float32)]
    scratch = [
        pltpu.VMEM((CH, 128), jnp.int32),
        pltpu.VMEM((CH, 128), jnp.int32),
        pltpu.VMEM((128, D), jnp.float32),
        pltpu.VMEM_SHARED((NPAD, D), jnp.float32),
        pltpu.SemaphoreType.DMA,
    ]
    if with_cnt:
        out_type.append(jax.ShapeDtypeStruct((NC * NPAD,), jnp.float32))
        scratch += [
            pltpu.VMEM((128,), jnp.float32),
            pltpu.VMEM((RPT,), jnp.float32),
            pltpu.VMEM_SHARED((NPAD,), jnp.float32),
        ]

    @functools.partial(
        pl.kernel, out_type=tuple(out_type), mesh=mesh,
        scratch_types=scratch,
    )
    def seg(m_hbm, src_hbm, dst_hbm, za_hbm, zc_hbm, ones_hbm,
            agg_out, *rest):
        if with_cnt:
            cnt_out, src_v, dst_v, rows_v, agg_sp, sem, ones_v, cstg_v, cnt_sp = rest
        else:
            src_v, dst_v, rows_v, agg_sp, sem = rest
        cid = lax.axis_index("c")
        sid = lax.axis_index("s")
        w = cid * NS + sid
        r0 = sid * RPT
        pltpu.sync_copy(za_hbm.at[pl.ds(r0, RPT)], agg_sp.at[pl.ds(r0, RPT)])
        if with_cnt:
            pltpu.sync_copy(zc_hbm.at[pl.ds(r0, RPT)], cstg_v)
            pltpu.sync_copy(cstg_v, cnt_sp.at[pl.ds(r0, RPT)])
            pltpu.sync_copy(ones_hbm, ones_v)
        pltpu.sync_copy(src_hbm.at[w], src_v)
        pltpu.sync_copy(dst_hbm.at[w], dst_v)
        plsc.subcore_barrier()

        def body(j, carry):
            pltpu.async_copy(m_hbm.at[src_v.at[j]], rows_v, sem).wait()
            pltpu.sync_copy(rows_v, agg_sp.at[dst_v.at[j]], add=True)
            if with_cnt:
                pltpu.sync_copy(ones_v, cnt_sp.at[dst_v.at[j]], add=True)
            return carry

        lax.fori_loop(0, CH, body, 0)
        plsc.subcore_barrier()
        pltpu.sync_copy(agg_sp.at[pl.ds(r0, RPT)], agg_out.at[cid, pl.ds(r0, RPT)])
        if with_cnt:
            pltpu.sync_copy(cnt_sp.at[pl.ds(r0, RPT)], cstg_v)
            pltpu.sync_copy(cstg_v, cnt_out.at[pl.ds(cid * NPAD + r0, RPT)])

    return seg


def _params_of(grid):
    g0 = grid[0]
    g1 = grid[-1]
    denom = (g1 - g0) / (grid.shape[0] - 1)
    return jnp.stack([g0, g1, -1.0 / (denom * denom)])


def kernel(x, edge_index, grid1, Ws1, Wb1, grid2, Ws2, Wb2, grid_out, Ws_out, Wb_out):
    src, dst = edge_index[0], edge_index[1]
    loops = jnp.arange(N, dtype=jnp.int32)
    pad = EPAD - (src.shape[0] + N)
    srcs = jnp.concatenate(
        [src, loops, jnp.zeros((pad,), jnp.int32)]).reshape(NW, CH, 128)
    dsts = jnp.concatenate(
        [dst, loops, jnp.full((pad,), DUMMY, jnp.int32)]).reshape(NW, CH, 128)
    za = jnp.zeros((NPAD, D), jnp.float32)
    zc = jnp.zeros((NPAD,), jnp.float32)
    ones = jnp.ones((128,), jnp.float32)

    m1 = _kan_call(_params_of(grid1), x,
                   jnp.concatenate([Ws1[0::2], Ws1[1::2]], axis=0), Wb1)
    agg1, cnt1 = _make_seg(True)(m1, srcs, dsts, za, zc, ones)
    cnt = cnt1.reshape(NC, NPAD, 1)
    m2 = _norm_kan_call(_norm_kan_body, _params_of(grid2), agg1, cnt,
                        jnp.concatenate([Ws2[0::2], Ws2[1::2]], axis=0), Wb2)
    (agg2,) = _make_seg(False)(m2, srcs, dsts, za, zc, ones)
    return _norm_kan_call(_norm_kan_lsm_body, _params_of(grid_out), agg2, cnt,
                          jnp.concatenate([Ws_out[0::2], Ws_out[1::2]], axis=0),
                          Wb_out)

# --- scband reference (transcript-rebuilt; emitter-appended) ---
"""Pipeline reference for scband-kang-17746804867652 (READ-ONLY COPY).

The authoritative reference and input builder live on the scoring server;
editing this copy changes nothing except your own understanding.
"""

import jax, jax.numpy as jnp
import numpy as np

N = 10000
E = 320000
D_IN = 128
D_HID = 128
D_OUT = 128
G = 2
GRID_MIN, GRID_MAX = -1.0, 1.0


def setup_inputs(seed: int = 0) -> dict:
    key = jax.random.key(seed)
    ks = jax.random.split(key, 12)
    x = jax.random.normal(ks[0], (N, D_IN), dtype=jnp.float32)
    edge_index = jax.random.randint(ks[1], (2, E), 0, N, dtype=jnp.int32)
    grid = jnp.linspace(GRID_MIN, GRID_MAX, G).astype(jnp.float32)
    def w(k, fan_in, fan_out):
        return jax.random.normal(k, (fan_in, fan_out), dtype=jnp.float32) / jnp.sqrt(fan_in)
    return {
        "x": x,
        "edge_index": edge_index,
        "grid1": grid, "Ws1": w(ks[2], D_IN * G, D_HID), "Wb1": w(ks[3], D_IN, D_HID),
        "grid2": grid, "Ws2": w(ks[4], D_HID * G, D_HID), "Wb2": w(ks[5], D_HID, D_HID),
        "grid_out": grid, "Ws_out": w(ks[6], D_HID * G, D_OUT), "Wb_out": w(ks[7], D_HID, D_OUT),
    }


def _kan(z, grid, Ws, Wb):
    # FastKAN-style RBF basis + base silu branch
    denom = (grid[-1] - grid[0]) / (grid.shape[0] - 1)
    r = jnp.exp(-(((z[:, :, None] - grid[None, None, :]) / denom) ** 2))
    spline = r.reshape(z.shape[0], -1) @ Ws
    base = jax.nn.silu(z) @ Wb
    return spline + base


def _layer_norm(z, eps=1e-5):
    mu = jnp.mean(z, axis=-1, keepdims=True)
    var = jnp.var(z, axis=-1, keepdims=True)
    return (z - mu) / jnp.sqrt(var + eps)


def reference(x, edge_index, grid1, Ws1, Wb1, grid2, Ws2, Wb2, grid_out, Ws_out, Wb_out):
    n = x.shape[0]
    loops = jnp.arange(n, dtype=edge_index.dtype)
    ei = jnp.concatenate([edge_index, jnp.stack([loops, loops], axis=0)], axis=1)
    src, dst = ei[0], ei[1]
    cnt = jax.ops.segment_sum(jnp.ones(src.shape[0], jnp.float32), dst, num_segments=n)
    cnt = jnp.maximum(cnt, 1.0)[:, None]

    def conv(z, grid, Ws, Wb):
        m = _kan(z, grid, Ws, Wb)
        agg = jax.ops.segment_sum(jnp.take(m, src, axis=0), dst, num_segments=n)
        return agg / cnt  # aggr='mean'

    h = _layer_norm(conv(x, grid1, Ws1, Wb1))
    h = _layer_norm(conv(h, grid2, Ws2, Wb2))
    out = _kan(h, grid_out, Ws_out, Wb_out)
    return jax.nn.log_softmax(out, axis=1)

if __name__ == "__main__":
    import jax
    _d = setup_inputs()
    print(jax.jit(kernel)(*tuple(_d.values())))

</pallas_src>

<mosaic_0001>
#map = affine_map<(d0, d1) -> (0, 0)>
#map1 = affine_map<(d0, d1) -> (0, 0, 0)>
#map2 = affine_map<(d0, d1) -> (0)>
module attributes {stable_mosaic.version = 14 : i64} {
  func.func @seg(%arg0: i32, %arg1: i32, %arg2: memref<10000x128xf32, #tpu.memory_space<hbm>>, %arg3: memref<32x81x128xi32, #tpu.memory_space<hbm>>, %arg4: memref<32x81x128xi32, #tpu.memory_space<hbm>>, %arg5: memref<10112x128xf32, #tpu.memory_space<hbm>>, %arg6: memref<10112xf32, #tpu.memory_space<hbm>>, %arg7: memref<128xf32, #tpu.memory_space<hbm>>, %arg8: memref<2x10112x128xf32, #tpu.memory_space<hbm>>, %arg9: memref<81x128xi32, #tpu.memory_space<vmem>>, %arg10: memref<81x128xi32, #tpu.memory_space<vmem>>, %arg11: memref<128x128xf32, #tpu.memory_space<vmem>>, %arg12: memref<10112x128xf32, #tpu.memory_space<vmem_shared>>, %arg13: memref<!tpu.dma_semaphore, #tpu.memory_space<semaphore_mem>>) attributes {dimension_semantics = [#tpu.dimension_semantics<core_parallel>, #tpu.dimension_semantics<subcore_parallel>], iteration_bounds = array<i64: 2, 16>, scalar_prefetch = 0 : i64, scratch_operands = 5 : i64, tpu.core_type = #tpu.core_type<sc_vector_subcore>, window_params = [{transform_indices = #map}, {transform_indices = #map1}, {transform_indices = #map1}, {transform_indices = #map}, {transform_indices = #map2}, {transform_indices = #map2}, {transform_indices = #map1}]} {
    %mul3A = arith.constant 16 : i32
    %mul3A_0 = arith.muli %arg0, %mul3A : i32
    %add3A = arith.addi %mul3A_0, %arg1 : i32
    %mul3A_1 = arith.constant 632 : i32
    %mul3A_2 = arith.muli %arg1, %mul3A_1 : i32
    "tpu.region"() ({
      %run_scoped3A = tpu.sem_alloc : memref<!tpu.dma_semaphore, #tpu.memory_space<semaphore_mem>>
      %dma_start3A = arith.constant 0 : i32
      %dma_start3A_9 = tpu.memref_slice %arg12[%mul3A_2, %dma_start3A] : memref<10112x128xf32, #tpu.memory_space<vmem_shared>> -> memref<632x128xf32, #tpu.memory_space<vmem_shared>>
      %dma_start3A_10 = arith.constant 0 : i32
      %dma_start3A_11 = tpu.memref_slice %arg5[%mul3A_2, %dma_start3A_10] : memref<10112x128xf32, #tpu.memory_space<hbm>> -> memref<632x128xf32, #tpu.memory_space<hbm>>
      tpu.enqueue_dma source(%dma_start3A_11 : memref<632x128xf32, #tpu.memory_space<hbm>>) target(%dma_start3A_9 : memref<632x128xf32, #tpu.memory_space<vmem_shared>>) target_semaphore(%run_scoped3A : memref<!tpu.dma_semaphore, #tpu.memory_space<semaphore_mem>>)
      %dma_wait3A = arith.constant 0 : i32
      %dma_wait3A_12 = tpu.memref_slice %arg12[%mul3A_2, %dma_wait3A] : memref<10112x128xf32, #tpu.memory_space<vmem_shared>> -> memref<632x128xf32, #tpu.memory_space<vmem_shared>>
      %dma_wait3A_13 = arith.constant 0 : i32
      %dma_wait3A_14 = tpu.memref_slice %arg5[%mul3A_2, %dma_wait3A_13] : memref<10112x128xf32, #tpu.memory_space<hbm>> -> memref<632x128xf32, #tpu.memory_space<hbm>>
      tpu.wait_dma2 semaphore(%run_scoped3A : memref<!tpu.dma_semaphore, #tpu.memory_space<semaphore_mem>>) src(%dma_wait3A_14 : memref<632x128xf32, #tpu.memory_space<hbm>>) dst(%dma_wait3A_12 : memref<632x128xf32, #tpu.memory_space<vmem_shared>>)
      tpu.yield
    }) : () -> ()
    "tpu.region"() ({
      %run_scoped3A = tpu.sem_alloc : memref<!tpu.dma_semaphore, #tpu.memory_space<semaphore_mem>>
      %dma_start3A = arith.constant 0 : i32
      %dma_start3A_9 = arith.constant 0 : i32
      %dma_start3A_10 = tpu.memref_slice %arg3[%add3A, %dma_start3A, %dma_start3A_9] : memref<32x81x128xi32, #tpu.memory_space<hbm>> -> memref<1x81x128xi32, #tpu.memory_space<hbm>>
      %dma_start3A_11 = tpu.memref_squeeze %dma_start3A_10 : memref<1x81x128xi32, #tpu.memory_space<hbm>> -> memref<81x128xi32, #tpu.memory_space<hbm>>
      %dma_start3A_12 = arith.constant 0 : i32
      %dma_start3A_13 = arith.constant 0 : i32
      %dma_start3A_14 = tpu.memref_slice %arg3[%add3A, %dma_start3A_12, %dma_start3A_13] : memref<32x81x128xi32, #tpu.memory_space<hbm>> -> memref<1x81x128xi32, #tpu.memory_space<hbm>>
      %dma_start3A_15 = tpu.memref_squeeze %dma_start3A_14 : memref<1x81x128xi32, #tpu.memory_space<hbm>> -> memref<81x128xi32, #tpu.memory_space<hbm>>
      tpu.enqueue_dma source(%dma_start3A_15 : memref<81x128xi32, #tpu.memory_space<hbm>>) target(%arg9 : memref<81x128xi32, #tpu.memory_space<vmem>>) target_semaphore(%run_scoped3A : memref<!tpu.dma_semaphore, #tpu.memory_space<semaphore_mem>>)
      %dma_wait3A = arith.constant 0 : i32
      %dma_wait3A_16 = arith.constant 0 : i32
      %dma_wait3A_17 = tpu.memref_slice %arg3[%add3A, %dma_wait3A, %dma_wait3A_16] : memref<32x81x128xi32, #tpu.memory_space<hbm>> -> memref<1x81x128xi32, #tpu.memory_space<hbm>>
      %dma_wait3A_18 = tpu.memref_squeeze %dma_wait3A_17 : memref<1x81x128xi32, #tpu.memory_space<hbm>> -> memref<81x128xi32, #tpu.memory_space<hbm>>
      %dma_wait3A_19 = arith.constant 0 : i32
      %dma_wait3A_20 = arith.constant 0 : i32
      %dma_wait3A_21 = tpu.memref_slice %arg3[%add3A, %dma_wait3A_19, %dma_wait3A_20] : memref<32x81x128xi32, #tpu.memory_space<hbm>> -> memref<1x81x128xi32, #tpu.memory_space<hbm>>
      %dma_wait3A_22 = tpu.memref_squeeze %dma_wait3A_21 : memref<1x81x128xi32, #tpu.memory_space<hbm>> -> memref<81x128xi32, #tpu.memory_space<hbm>>
      tpu.wait_dma2 semaphore(%run_scoped3A : memref<!tpu.dma_semaphore, #tpu.memory_space<semaphore_mem>>) src(%dma_wait3A_22 : memref<81x128xi32, #tpu.memory_space<hbm>>) dst(%arg9 : memref<81x128xi32, #tpu.memory_space<vmem>>)
      tpu.yield
    }) : () -> ()
    "tpu.region"() ({
      %run_scoped3A = tpu.sem_alloc : memref<!tpu.dma_semaphore, #tpu.memory_space<semaphore_mem>>
      %dma_start3A = arith.constant 0 : i32
      %dma_start3A_9 = arith.constant 0 : i32
      %dma_start3A_10 = tpu.memref_slice %arg4[%add3A, %dma_start3A, %dma_start3A_9] : memref<32x81x128xi32, #tpu.memory_space<hbm>> -> memref<1x81x128xi32, #tpu.memory_space<hbm>>
      %dma_start3A_11 = tpu.memref_squeeze %dma_start3A_10 : memref<1x81x128xi32, #tpu.memory_space<hbm>> -> memref<81x128xi32, #tpu.memory_space<hbm>>
      %dma_start3A_12 = arith.constant 0 : i32
      %dma_start3A_13 = arith.constant 0 : i32
      %dma_start3A_14 = tpu.memref_slice %arg4[%add3A, %dma_start3A_12, %dma_start3A_13] : memref<32x81x128xi32, #tpu.memory_space<hbm>> -> memref<1x81x128xi32, #tpu.memory_space<hbm>>
      %dma_start3A_15 = tpu.memref_squeeze %dma_start3A_14 : memref<1x81x128xi32, #tpu.memory_space<hbm>> -> memref<81x128xi32, #tpu.memory_space<hbm>>
      tpu.enqueue_dma source(%dma_start3A_15 : memref<81x128xi32, #tpu.memory_space<hbm>>) target(%arg10 : memref<81x128xi32, #tpu.memory_space<vmem>>) target_semaphore(%run_scoped3A : memref<!tpu.dma_semaphore, #tpu.memory_space<semaphore_mem>>)
      %dma_wait3A = arith.constant 0 : i32
      %dma_wait3A_16 = arith.constant 0 : i32
      %dma_wait3A_17 = tpu.memref_slice %arg4[%add3A, %dma_wait3A, %dma_wait3A_16] : memref<32x81x128xi32, #tpu.memory_space<hbm>> -> memref<1x81x128xi32, #tpu.memory_space<hbm>>
      %dma_wait3A_18 = tpu.memref_squeeze %dma_wait3A_17 : memref<1x81x128xi32, #tpu.memory_space<hbm>> -> memref<81x128xi32, #tpu.memory_space<hbm>>
      %dma_wait3A_19 = arith.constant 0 : i32
      %dma_wait3A_20 = arith.constant 0 : i32
      %dma_wait3A_21 = tpu.memref_slice %arg4[%add3A, %dma_wait3A_19, %dma_wait3A_20] : memref<32x81x128xi32, #tpu.memory_space<hbm>> -> memref<1x81x128xi32, #tpu.memory_space<hbm>>
      %dma_wait3A_22 = tpu.memref_squeeze %dma_wait3A_21 : memref<1x81x128xi32, #tpu.memory_space<hbm>> -> memref<81x128xi32, #tpu.memory_space<hbm>>
      tpu.wait_dma2 semaphore(%run_scoped3A : memref<!tpu.dma_semaphore, #tpu.memory_space<semaphore_mem>>) src(%dma_wait3A_22 : memref<81x128xi32, #tpu.memory_space<hbm>>) dst(%arg10 : memref<81x128xi32, #tpu.memory_space<vmem>>)
      tpu.yield
    }) : () -> ()
    %barrier3A = arith.constant 0 : index
    tpu.barrier barrier_id(%barrier3A)
    %scan3A = arith.constant 0 : i32
    %scan3A_3 = arith.constant 0 : i32
    %scan3A_4 = arith.constant 81 : i32
    %scan3A_5 = arith.addi %scan3A_3, %scan3A_4 : i32
    %scan3A_6 = arith.constant 1 : i32
    scf.for %scan3A_9 = %scan3A_3 to %scan3A_5 step %scan3A_6  : i32 {
      %dma_start3A = arith.constant 0 : i32
      %dma_start3A_10 = tpu.memref_slice %arg9[%scan3A_9, %dma_start3A] : memref<81x128xi32, #tpu.memory_space<vmem>> -> memref<1x128xi32, #tpu.memory_space<vmem>>
      %dma_start3A_11 = tpu.memref_squeeze %dma_start3A_10 : memref<1x128xi32, #tpu.memory_space<vmem>> -> memref<128xi32, #tpu.memory_space<vmem>>
      %dma_start3A_12 = arith.constant 0 : i32
      %dma_start3A_13 = arith.constant 0 : i32
      %dma_start3A_14 = tpu.memref_slice %arg2[%dma_start3A_12, %dma_start3A_13] : memref<10000x128xf32, #tpu.memory_space<hbm>> -> memref<10000x128xf32, #tpu.memory_space<hbm>>
      tpu.enqueue_indirect_dma source(%dma_start3A_14 : memref<10000x128xf32, #tpu.memory_space<hbm>>) target(%arg11 : memref<128x128xf32, #tpu.memory_space<vmem>>) offsets(%dma_start3A_11 : memref<128xi32, #tpu.memory_space<vmem>>) semaphore(%arg13 : memref<!tpu.dma_semaphore, #tpu.memory_space<semaphore_mem>>)
      %dma_wait3A = arith.constant 0 : i32
      %dma_wait3A_15 = tpu.memref_slice %arg9[%scan3A_9, %dma_wait3A] : memref<81x128xi32, #tpu.memory_space<vmem>> -> memref<1x128xi32, #tpu.memory_space<vmem>>
      %dma_wait3A_16 = tpu.memref_squeeze %dma_wait3A_15 : memref<1x128xi32, #tpu.memory_space<vmem>> -> memref<128xi32, #tpu.memory_space<vmem>>
      %dma_wait3A_17 = arith.constant 0 : i32
      %dma_wait3A_18 = arith.constant 0 : i32
      %dma_wait3A_19 = tpu.memref_slice %arg2[%dma_wait3A_17, %dma_wait3A_18] : memref<10000x128xf32, #tpu.memory_space<hbm>> -> memref<10000x128xf32, #tpu.memory_space<hbm>>
      tpu.wait_indirect_dma semaphore(%arg13 : memref<!tpu.dma_semaphore, #tpu.memory_space<semaphore_mem>>) src(%dma_wait3A_19 : memref<10000x128xf32, #tpu.memory_space<hbm>>) dst(%arg11 : memref<128x128xf32, #tpu.memory_space<vmem>>)
      "tpu.region"() ({
        %run_scoped3A = tpu.sem_alloc : memref<!tpu.dma_semaphore, #tpu.memory_space<semaphore_mem>>
        %dma_start3A_20 = arith.constant 0 : i32
        %dma_start3A_21 = tpu.memref_slice %arg10[%scan3A_9, %dma_start3A_20] : memref<81x128xi32, #tpu.memory_space<vmem>> -> memref<1x128xi32, #tpu.memory_space<vmem>>
        %dma_start3A_22 = tpu.memref_squeeze %dma_start3A_21 : memref<1x128xi32, #tpu.memory_space<vmem>> -> memref<128xi32, #tpu.memory_space<vmem>>
        %dma_start3A_23 = arith.constant 0 : i32
        %dma_start3A_24 = arith.constant 0 : i32
        %dma_start3A_25 = tpu.memref_slice %arg12[%dma_start3A_23, %dma_start3A_24] : memref<10112x128xf32, #tpu.memory_space<vmem_shared>> -> memref<10112x128xf32, #tpu.memory_space<vmem_shared>>
        tpu.enqueue_indirect_dma source(%arg11 : memref<128x128xf32, #tpu.memory_space<vmem>>) target(%dma_start3A_25 : memref<10112x128xf32, #tpu.memory_space<vmem_shared>>) offsets(%dma_start3A_22 : memref<128xi32, #tpu.memory_space<vmem>>) semaphore(%run_scoped3A : memref<!tpu.dma_semaphore, #tpu.memory_space<semaphore_mem>>) {add = true}
        %dma_wait3A_26 = arith.constant 0 : i32
        %dma_wait3A_27 = tpu.memref_slice %arg10[%scan3A_9, %dma_wait3A_26] : memref<81x128xi32, #tpu.memory_space<vmem>> -> memref<1x128xi32, #tpu.memory_space<vmem>>
        %dma_wait3A_28 = tpu.memref_squeeze %dma_wait3A_27 : memref<1x128xi32, #tpu.memory_space<vmem>> -> memref<128xi32, #tpu.memory_space<vmem>>
        %dma_wait3A_29 = arith.constant 0 : i32
        %dma_wait3A_30 = arith.constant 0 : i32
        %dma_wait3A_31 = tpu.memref_slice %arg12[%dma_wait3A_29, %dma_wait3A_30] : memref<10112x128xf32, #tpu.memory_space<vmem_shared>> -> memref<10112x128xf32, #tpu.memory_space<vmem_shared>>
        tpu.wait_indirect_dma semaphore(%run_scoped3A : memref<!tpu.dma_semaphore, #tpu.memory_space<semaphore_mem>>) src(%arg11 : memref<128x128xf32, #tpu.memory_space<vmem>>) dst(%dma_wait3A_31 : memref<10112x128xf32, #tpu.memory_space<vmem_shared>>)
        tpu.yield
      }) : () -> ()
    }
    %scan3A_7 = arith.constant 81 : i32
    %barrier3A_8 = arith.constant 0 : index
    tpu.barrier barrier_id(%barrier3A_8)
    "tpu.region"() ({
      %run_scoped3A = tpu.sem_alloc : memref<!tpu.dma_semaphore, #tpu.memory_space<semaphore_mem>>
      %dma_start3A = arith.constant 0 : i32
      %dma_start3A_9 = tpu.memref_slice %arg8[%arg0, %mul3A_2, %dma_start3A] : memref<2x10112x128xf32, #tpu.memory_space<hbm>> -> memref<1x632x128xf32, #tpu.memory_space<hbm>>
      %dma_start3A_10 = tpu.memref_squeeze %dma_start3A_9 : memref<1x632x128xf32, #tpu.memory_space<hbm>> -> memref<632x128xf32, #tpu.memory_space<hbm>>
      %dma_start3A_11 = arith.constant 0 : i32
      %dma_start3A_12 = tpu.memref_slice %arg12[%mul3A_2, %dma_start3A_11] : memref<10112x128xf32, #tpu.memory_space<vmem_shared>> -> memref<632x128xf32, #tpu.memory_space<vmem_shared>>
      tpu.enqueue_dma source(%dma_start3A_12 : memref<632x128xf32, #tpu.memory_space<vmem_shared>>) target(%dma_start3A_10 : memref<632x128xf32, #tpu.memory_space<hbm>>) target_semaphore(%run_scoped3A : memref<!tpu.dma_semaphore, #tpu.memory_space<semaphore_mem>>)
      %dma_wait3A = arith.constant 0 : i32
      %dma_wait3A_13 = tpu.memref_slice %arg8[%arg0, %mul3A_2, %dma_wait3A] : memref<2x10112x128xf32, #tpu.memory_space<hbm>> -> memref<1x632x128xf32, #tpu.memory_space<hbm>>
      %dma_wait3A_14 = tpu.memref_squeeze %dma_wait3A_13 : memref<1x632x128xf32, #tpu.memory_space<hbm>> -> memref<632x128xf32, #tpu.memory_space<hbm>>
      %dma_wait3A_15 = arith.constant 0 : i32
      %dma_wait3A_16 = tpu.memref_slice %arg12[%mul3A_2, %dma_wait3A_15] : memref<10112x128xf32, #tpu.memory_space<vmem_shared>> -> memref<632x128xf32, #tpu.memory_space<vmem_shared>>
      tpu.wait_dma2 semaphore(%run_scoped3A : memref<!tpu.dma_semaphore, #tpu.memory_space<semaphore_mem>>) src(%dma_wait3A_16 : memref<632x128xf32, #tpu.memory_space<vmem_shared>>) dst(%dma_wait3A_14 : memref<632x128xf32, #tpu.memory_space<hbm>>)
      tpu.yield
    }) : () -> ()
    return
  }
}

#map = affine_map<(d0, d1) -> (0, 0)>
#map1 = affine_map<(d0, d1) -> (0, 0, 0)>
#map2 = affine_map<(d0, d1) -> (0)>
module attributes {stable_mosaic.version = 14 : i64} {
  func.func @seg(%arg0: i32, %arg1: i32, %arg2: memref<10000x128xf32, #tpu.memory_space<hbm>>, %arg3: memref<32x81x128xi32, #tpu.memory_space<hbm>>, %arg4: memref<32x81x128xi32, #tpu.memory_space<hbm>>, %arg5: memref<10112x128xf32, #tpu.memory_space<hbm>>, %arg6: memref<10112xf32, #tpu.memory_space<hbm>>, %arg7: memref<128xf32, #tpu.memory_space<hbm>>, %arg8: memref<2x10112x128xf32, #tpu.memory_space<hbm>>, %arg9: memref<20224xf32, #tpu.memory_space<hbm>>, %arg10: memref<81x128xi32, #tpu.memory_space<vmem>>, %arg11: memref<81x128xi32, #tpu.memory_space<vmem>>, %arg12: memref<128x128xf32, #tpu.memory_space<vmem>>, %arg13: memref<10112x128xf32, #tpu.memory_space<vmem_shared>>, %arg14: memref<!tpu.dma_semaphore, #tpu.memory_space<semaphore_mem>>, %arg15: memref<128xf32, #tpu.memory_space<vmem>>, %arg16: memref<632xf32, #tpu.memory_space<vmem>>, %arg17: memref<10112xf32, #tpu.memory_space<vmem_shared>>) attributes {dimension_semantics = [#tpu.dimension_semantics<core_parallel>, #tpu.dimension_semantics<subcore_parallel>], iteration_bounds = array<i64: 2, 16>, scalar_prefetch = 0 : i64, scratch_operands = 8 : i64, tpu.core_type = #tpu.core_type<sc_vector_subcore>, window_params = [{transform_indices = #map}, {transform_indices = #map1}, {transform_indices = #map1}, {transform_indices = #map}, {transform_indices = #map2}, {transform_indices = #map2}, {transform_indices = #map1}, {transform_indices = #map2}]} {
    %mul3A = arith.constant 16 : i32
    %mul3A_0 = arith.muli %arg0, %mul3A : i32
    %add3A = arith.addi %mul3A_0, %arg1 : i32
    %mul3A_1 = arith.constant 632 : i32
    %mul3A_2 = arith.muli %arg1, %mul3A_1 : i32
    "tpu.region"() ({
      %run_scoped3A = tpu.sem_alloc : memref<!tpu.dma_semaphore, #tpu.memory_space<semaphore_mem>>
      %dma_start3A = arith.constant 0 : i32
      %dma_start3A_12 = tpu.memref_slice %arg13[%mul3A_2, %dma_start3A] : memref<10112x128xf32, #tpu.memory_space<vmem_shared>> -> memref<632x128xf32, #tpu.memory_space<vmem_shared>>
      %dma_start3A_13 = arith.constant 0 : i32
      %dma_start3A_14 = tpu.memref_slice %arg5[%mul3A_2, %dma_start3A_13] : memref<10112x128xf32, #tpu.memory_space<hbm>> -> memref<632x128xf32, #tpu.memory_space<hbm>>
      tpu.enqueue_dma source(%dma_start3A_14 : memref<632x128xf32, #tpu.memory_space<hbm>>) target(%dma_start3A_12 : memref<632x128xf32, #tpu.memory_space<vmem_shared>>) target_semaphore(%run_scoped3A : memref<!tpu.dma_semaphore, #tpu.memory_space<semaphore_mem>>)
      %dma_wait3A = arith.constant 0 : i32
      %dma_wait3A_15 = tpu.memref_slice %arg13[%mul3A_2, %dma_wait3A] : memref<10112x128xf32, #tpu.memory_space<vmem_shared>> -> memref<632x128xf32, #tpu.memory_space<vmem_shared>>
      %dma_wait3A_16 = arith.constant 0 : i32
      %dma_wait3A_17 = tpu.memref_slice %arg5[%mul3A_2, %dma_wait3A_16] : memref<10112x128xf32, #tpu.memory_space<hbm>> -> memref<632x128xf32, #tpu.memory_space<hbm>>
      tpu.wait_dma2 semaphore(%run_scoped3A : memref<!tpu.dma_semaphore, #tpu.memory_space<semaphore_mem>>) src(%dma_wait3A_17 : memref<632x128xf32, #tpu.memory_space<hbm>>) dst(%dma_wait3A_15 : memref<632x128xf32, #tpu.memory_space<vmem_shared>>)
      tpu.yield
    }) : () -> ()
    "tpu.region"() ({
      %run_scoped3A = tpu.sem_alloc : memref<!tpu.dma_semaphore, #tpu.memory_space<semaphore_mem>>
      %dma_start3A = tpu.memref_slice %arg6[%mul3A_2] : memref<10112xf32, #tpu.memory_space<hbm>> -> memref<632xf32, #tpu.memory_space<hbm>>
      %dma_start3A_12 = tpu.memref_slice %arg6[%mul3A_2] : memref<10112xf32, #tpu.memory_space<hbm>> -> memref<632xf32, #tpu.memory_space<hbm>>
      tpu.enqueue_dma source(%dma_start3A_12 : memref<632xf32, #tpu.memory_space<hbm>>) target(%arg16 : memref<632xf32, #tpu.memory_space<vmem>>) target_semaphore(%run_scoped3A : memref<!tpu.dma_semaphore, #tpu.memory_space<semaphore_mem>>)
      %dma_wait3A = tpu.memref_slice %arg6[%mul3A_2] : memref<10112xf32, #tpu.memory_space<hbm>> -> memref<632xf32, #tpu.memory_space<hbm>>
      %dma_wait3A_13 = tpu.memref_slice %arg6[%mul3A_2] : memref<10112xf32, #tpu.memory_space<hbm>> -> memref<632xf32, #tpu.memory_space<hbm>>
      tpu.wait_dma2 semaphore(%run_scoped3A : memref<!tpu.dma_semaphore, #tpu.memory_space<semaphore_mem>>) src(%dma_wait3A_13 : memref<632xf32, #tpu.memory_space<hbm>>) dst(%arg16 : memref<632xf32, #tpu.memory_space<vmem>>)
      tpu.yield
    }) : () -> ()
    "tpu.region"() ({
      %run_scoped3A = tpu.sem_alloc : memref<!tpu.dma_semaphore, #tpu.memory_space<semaphore_mem>>
      %dma_start3A = tpu.memref_slice %arg17[%mul3A_2] : memref<10112xf32, #tpu.memory_space<vmem_shared>> -> memref<632xf32, #tpu.memory_space<vmem_shared>>
      %dma_start3A_12 = tpu.memref_slice %arg17[%mul3A_2] : memref<10112xf32, #tpu.memory_space<vmem_shared>> -> memref<632xf32, #tpu.memory_space<vmem_shared>>
      tpu.enqueue_dma source(%arg16 : memref<632xf32, #tpu.memory_space<vmem>>) target(%dma_start3A_12 : memref<632xf32, #tpu.memory_space<vmem_shared>>) target_semaphore(%run_scoped3A : memref<!tpu.dma_semaphore, #tpu.memory_space<semaphore_mem>>)
      %dma_wait3A = tpu.memref_slice %arg17[%mul3A_2] : memref<10112xf32, #tpu.memory_space<vmem_shared>> -> memref<632xf32, #tpu.memory_space<vmem_shared>>
      %dma_wait3A_13 = tpu.memref_slice %arg17[%mul3A_2] : memref<10112xf32, #tpu.memory_space<vmem_shared>> -> memref<632xf32, #tpu.memory_space<vmem_shared>>
      tpu.wait_dma2 semaphore(%run_scoped3A : memref<!tpu.dma_semaphore, #tpu.memory_space<semaphore_mem>>) src(%arg16 : memref<632xf32, #tpu.memory_space<vmem>>) dst(%dma_wait3A_13 : memref<632xf32, #tpu.memory_space<vmem_shared>>)
      tpu.yield
    }) : () -> ()
    "tpu.region"() ({
      %run_scoped3A = tpu.sem_alloc : memref<!tpu.dma_semaphore, #tpu.memory_space<semaphore_mem>>
      tpu.enqueue_dma source(%arg7 : memref<128xf32, #tpu.memory_space<hbm>>) target(%arg15 : memref<128xf32, #tpu.memory_space<vmem>>) target_semaphore(%run_scoped3A : memref<!tpu.dma_semaphore, #tpu.memory_space<semaphore_mem>>)
      tpu.wait_dma2 semaphore(%run_scoped3A : memref<!tpu.dma_semaphore, #tpu.memory_space<semaphore_mem>>) src(%arg7 : memref<128xf32, #tpu.memory_space<hbm>>) dst(%arg15 : memref<128xf32, #tpu.memory_space<vmem>>)
      tpu.yield
    }) : () -> ()
    "tpu.region"() ({
      %run_scoped3A = tpu.sem_alloc : memref<!tpu.dma_semaphore, #tpu.memory_space<semaphore_mem>>
      %dma_start3A = arith.constant 0 : i32
      %dma_start3A_12 = arith.constant 0 : i32
      %dma_start3A_13 = tpu.memref_slice %arg3[%add3A, %dma_start3A, %dma_start3A_12] : memref<32x81x128xi32, #tpu.memory_space<hbm>> -> memref<1x81x128xi32, #tpu.memory_space<hbm>>
      %dma_start3A_14 = tpu.memref_squeeze %dma_start3A_13 : memref<1x81x128xi32, #tpu.memory_space<hbm>> -> memref<81x128xi32, #tpu.memory_space<hbm>>
      %dma_start3A_15 = arith.constant 0 : i32
      %dma_start3A_16 = arith.constant 0 : i32
      %dma_start3A_17 = tpu.memref_slice %arg3[%add3A, %dma_start3A_15, %dma_start3A_16] : memref<32x81x128xi32, #tpu.memory_space<hbm>> -> memref<1x81x128xi32, #tpu.memory_space<hbm>>
      %dma_start3A_18 = tpu.memref_squeeze %dma_start3A_17 : memref<1x81x128xi32, #tpu.memory_space<hbm>> -> memref<81x128xi32, #tpu.memory_space<hbm>>
      tpu.enqueue_dma source(%dma_start3A_18 : memref<81x128xi32, #tpu.memory_space<hbm>>) target(%arg10 : memref<81x128xi32, #tpu.memory_space<vmem>>) target_semaphore(%run_scoped3A : memref<!tpu.dma_semaphore, #tpu.memory_space<semaphore_mem>>)
      %dma_wait3A = arith.constant 0 : i32
      %dma_wait3A_19 = arith.constant 0 : i32
      %dma_wait3A_20 = tpu.memref_slice %arg3[%add3A, %dma_wait3A, %dma_wait3A_19] : memref<32x81x128xi32, #tpu.memory_space<hbm>> -> memref<1x81x128xi32, #tpu.memory_space<hbm>>
      %dma_wait3A_21 = tpu.memref_squeeze %dma_wait3A_20 : memref<1x81x128xi32, #tpu.memory_space<hbm>> -> memref<81x128xi32, #tpu.memory_space<hbm>>
      %dma_wait3A_22 = arith.constant 0 : i32
      %dma_wait3A_23 = arith.constant 0 : i32
      %dma_wait3A_24 = tpu.memref_slice %arg3[%add3A, %dma_wait3A_22, %dma_wait3A_23] : memref<32x81x128xi32, #tpu.memory_space<hbm>> -> memref<1x81x128xi32, #tpu.memory_space<hbm>>
      %dma_wait3A_25 = tpu.memref_squeeze %dma_wait3A_24 : memref<1x81x128xi32, #tpu.memory_space<hbm>> -> memref<81x128xi32, #tpu.memory_space<hbm>>
      tpu.wait_dma2 semaphore(%run_scoped3A : memref<!tpu.dma_semaphore, #tpu.memory_space<semaphore_mem>>) src(%dma_wait3A_25 : memref<81x128xi32, #tpu.memory_space<hbm>>) dst(%arg10 : memref<81x128xi32, #tpu.memory_space<vmem>>)
      tpu.yield
    }) : () -> ()
    "tpu.region"() ({
      %run_scoped3A = tpu.sem_alloc : memref<!tpu.dma_semaphore, #tpu.memory_space<semaphore_mem>>
      %dma_start3A = arith.constant 0 : i32
      %dma_start3A_12 = arith.constant 0 : i32
      %dma_start3A_13 = tpu.memref_slice %arg4[%add3A, %dma_start3A, %dma_start3A_12] : memref<32x81x128xi32, #tpu.memory_space<hbm>> -> memref<1x81x128xi32, #tpu.memory_space<hbm>>
      %dma_start3A_14 = tpu.memref_squeeze %dma_start3A_13 : memref<1x81x128xi32, #tpu.memory_space<hbm>> -> memref<81x128xi32, #tpu.memory_space<hbm>>
      %dma_start3A_15 = arith.constant 0 : i32
      %dma_start3A_16 = arith.constant 0 : i32
      %dma_start3A_17 = tpu.memref_slice %arg4[%add3A, %dma_start3A_15, %dma_start3A_16] : memref<32x81x128xi32, #tpu.memory_space<hbm>> -> memref<1x81x128xi32, #tpu.memory_space<hbm>>
      %dma_start3A_18 = tpu.memref_squeeze %dma_start3A_17 : memref<1x81x128xi32, #tpu.memory_space<hbm>> -> memref<81x128xi32, #tpu.memory_space<hbm>>
      tpu.enqueue_dma source(%dma_start3A_18 : memref<81x128xi32, #tpu.memory_space<hbm>>) target(%arg11 : memref<81x128xi32, #tpu.memory_space<vmem>>) target_semaphore(%run_scoped3A : memref<!tpu.dma_semaphore, #tpu.memory_space<semaphore_mem>>)
      %dma_wait3A = arith.constant 0 : i32
      %dma_wait3A_19 = arith.constant 0 : i32
      %dma_wait3A_20 = tpu.memref_slice %arg4[%add3A, %dma_wait3A, %dma_wait3A_19] : memref<32x81x128xi32, #tpu.memory_space<hbm>> -> memref<1x81x128xi32, #tpu.memory_space<hbm>>
      %dma_wait3A_21 = tpu.memref_squeeze %dma_wait3A_20 : memref<1x81x128xi32, #tpu.memory_space<hbm>> -> memref<81x128xi32, #tpu.memory_space<hbm>>
      %dma_wait3A_22 = arith.constant 0 : i32
      %dma_wait3A_23 = arith.constant 0 : i32
      %dma_wait3A_24 = tpu.memref_slice %arg4[%add3A, %dma_wait3A_22, %dma_wait3A_23] : memref<32x81x128xi32, #tpu.memory_space<hbm>> -> memref<1x81x128xi32, #tpu.memory_space<hbm>>
      %dma_wait3A_25 = tpu.memref_squeeze %dma_wait3A_24 : memref<1x81x128xi32, #tpu.memory_space<hbm>> -> memref<81x128xi32, #tpu.memory_space<hbm>>
      tpu.wait_dma2 semaphore(%run_scoped3A : memref<!tpu.dma_semaphore, #tpu.memory_space<semaphore_mem>>) src(%dma_wait3A_25 : memref<81x128xi32, #tpu.memory_space<hbm>>) dst(%arg11 : memref<81x128xi32, #tpu.memory_space<vmem>>)
      tpu.yield
    }) : () -> ()
    %barrier3A = arith.constant 0 : index
    tpu.barrier barrier_id(%barrier3A)
    %scan3A = arith.constant 0 : i32
    %scan3A_3 = arith.constant 0 : i32
    %scan3A_4 = arith.constant 81 : i32
    %scan3A_5 = arith.addi %scan3A_3, %scan3A_4 : i32
    %scan3A_6 = arith.constant 1 : i32
    scf.for %scan3A_12 = %scan3A_3 to %scan3A_5 step %scan3A_6  : i32 {
      %dma_start3A = arith.constant 0 : i32
      %dma_start3A_13 = tpu.memref_slice %arg10[%scan3A_12, %dma_start3A] : memref<81x128xi32, #tpu.memory_space<vmem>> -> memref<1x128xi32, #tpu.memory_space<vmem>>
      %dma_start3A_14 = tpu.memref_squeeze %dma_start3A_13 : memref<1x128xi32, #tpu.memory_space<vmem>> -> memref<128xi32, #tpu.memory_space<vmem>>
      %dma_start3A_15 = arith.constant 0 : i32
      %dma_start3A_16 = arith.constant 0 : i32
      %dma_start3A_17 = tpu.memref_slice %arg2[%dma_start3A_15, %dma_start3A_16] : memref<10000x128xf32, #tpu.memory_space<hbm>> -> memref<10000x128xf32, #tpu.memory_space<hbm>>
      tpu.enqueue_indirect_dma source(%dma_start3A_17 : memref<10000x128xf32, #tpu.memory_space<hbm>>) target(%arg12 : memref<128x128xf32, #tpu.memory_space<vmem>>) offsets(%dma_start3A_14 : memref<128xi32, #tpu.memory_space<vmem>>) semaphore(%arg14 : memref<!tpu.dma_semaphore, #tpu.memory_space<semaphore_mem>>)
      %dma_wait3A = arith.constant 0 : i32
      %dma_wait3A_18 = tpu.memref_slice %arg10[%scan3A_12, %dma_wait3A] : memref<81x128xi32, #tpu.memory_space<vmem>> -> memref<1x128xi32, #tpu.memory_space<vmem>>
      %dma_wait3A_19 = tpu.memref_squeeze %dma_wait3A_18 : memref<1x128xi32, #tpu.memory_space<vmem>> -> memref<128xi32, #tpu.memory_space<vmem>>
      %dma_wait3A_20 = arith.constant 0 : i32
      %dma_wait3A_21 = arith.constant 0 : i32
      %dma_wait3A_22 = tpu.memref_slice %arg2[%dma_wait3A_20, %dma_wait3A_21] : memref<10000x128xf32, #tpu.memory_space<hbm>> -> memref<10000x128xf32, #tpu.memory_space<hbm>>
      tpu.wait_indirect_dma semaphore(%arg14 : memref<!tpu.dma_semaphore, #tpu.memory_space<semaphore_mem>>) src(%dma_wait3A_22 : memref<10000x128xf32, #tpu.memory_space<hbm>>) dst(%arg12 : memref<128x128xf32, #tpu.memory_space<vmem>>)
      "tpu.region"() ({
        %run_scoped3A = tpu.sem_alloc : memref<!tpu.dma_semaphore, #tpu.memory_space<semaphore_mem>>
        %dma_start3A_23 = arith.constant 0 : i32
        %dma_start3A_24 = tpu.memref_slice %arg11[%scan3A_12, %dma_start3A_23] : memref<81x128xi32, #tpu.memory_space<vmem>> -> memref<1x128xi32, #tpu.memory_space<vmem>>
        %dma_start3A_25 = tpu.memref_squeeze %dma_start3A_24 : memref<1x128xi32, #tpu.memory_space<vmem>> -> memref<128xi32, #tpu.memory_space<vmem>>
        %dma_start3A_26 = arith.constant 0 : i32
        %dma_start3A_27 = arith.constant 0 : i32
        %dma_start3A_28 = tpu.memref_slice %arg13[%dma_start3A_26, %dma_start3A_27] : memref<10112x128xf32, #tpu.memory_space<vmem_shared>> -> memref<10112x128xf32, #tpu.memory_space<vmem_shared>>
        tpu.enqueue_indirect_dma source(%arg12 : memref<128x128xf32, #tpu.memory_space<vmem>>) target(%dma_start3A_28 : memref<10112x128xf32, #tpu.memory_space<vmem_shared>>) offsets(%dma_start3A_25 : memref<128xi32, #tpu.memory_space<vmem>>) semaphore(%run_scoped3A : memref<!tpu.dma_semaphore, #tpu.memory_space<semaphore_mem>>) {add = true}
        %dma_wait3A_29 = arith.constant 0 : i32
        %dma_wait3A_30 = tpu.memref_slice %arg11[%scan3A_12, %dma_wait3A_29] : memref<81x128xi32, #tpu.memory_space<vmem>> -> memref<1x128xi32, #tpu.memory_space<vmem>>
        %dma_wait3A_31 = tpu.memref_squeeze %dma_wait3A_30 : memref<1x128xi32, #tpu.memory_space<vmem>> -> memref<128xi32, #tpu.memory_space<vmem>>
        %dma_wait3A_32 = arith.constant 0 : i32
        %dma_wait3A_33 = arith.constant 0 : i32
        %dma_wait3A_34 = tpu.memref_slice %arg13[%dma_wait3A_32, %dma_wait3A_33] : memref<10112x128xf32, #tpu.memory_space<vmem_shared>> -> memref<10112x128xf32, #tpu.memory_space<vmem_shared>>
        tpu.wait_indirect_dma semaphore(%run_scoped3A : memref<!tpu.dma_semaphore, #tpu.memory_space<semaphore_mem>>) src(%arg12 : memref<128x128xf32, #tpu.memory_space<vmem>>) dst(%dma_wait3A_34 : memref<10112x128xf32, #tpu.memory_space<vmem_shared>>)
        tpu.yield
      }) : () -> ()
      "tpu.region"() ({
        %run_scoped3A = tpu.sem_alloc : memref<!tpu.dma_semaphore, #tpu.memory_space<semaphore_mem>>
        %dma_start3A_23 = arith.constant 0 : i32
        %dma_start3A_24 = tpu.memref_slice %arg11[%scan3A_12, %dma_start3A_23] : memref<81x128xi32, #tpu.memory_space<vmem>> -> memref<1x128xi32, #tpu.memory_space<vmem>>
        %dma_start3A_25 = tpu.memref_squeeze %dma_start3A_24 : memref<1x128xi32, #tpu.memory_space<vmem>> -> memref<128xi32, #tpu.memory_space<vmem>>
        %dma_start3A_26 = arith.constant 0 : i32
        %dma_start3A_27 = tpu.memref_slice %arg17[%dma_start3A_26] : memref<10112xf32, #tpu.memory_space<vmem_shared>> -> memref<10112xf32, #tpu.memory_space<vmem_shared>>
        tpu.enqueue_indirect_dma source(%arg15 : memref<128xf32, #tpu.memory_space<vmem>>) target(%dma_start3A_27 : memref<10112xf32, #tpu.memory_space<vmem_shared>>) offsets(%dma_start3A_25 : memref<128xi32, #tpu.memory_space<vmem>>) semaphore(%run_scoped3A : memref<!tpu.dma_semaphore, #tpu.memory_space<semaphore_mem>>) {add = true}
        %dma_wait3A_28 = arith.constant 0 : i32
        %dma_wait3A_29 = tpu.memref_slice %arg11[%scan3A_12, %dma_wait3A_28] : memref<81x128xi32, #tpu.memory_space<vmem>> -> memref<1x128xi32, #tpu.memory_space<vmem>>
        %dma_wait3A_30 = tpu.memref_squeeze %dma_wait3A_29 : memref<1x128xi32, #tpu.memory_space<vmem>> -> memref<128xi32, #tpu.memory_space<vmem>>
        %dma_wait3A_31 = arith.constant 0 : i32
        %dma_wait3A_32 = tpu.memref_slice %arg17[%dma_wait3A_31] : memref<10112xf32, #tpu.memory_space<vmem_shared>> -> memref<10112xf32, #tpu.memory_space<vmem_shared>>
        tpu.wait_indirect_dma semaphore(%run_scoped3A : memref<!tpu.dma_semaphore, #tpu.memory_space<semaphore_mem>>) src(%arg15 : memref<128xf32, #tpu.memory_space<vmem>>) dst(%dma_wait3A_32 : memref<10112xf32, #tpu.memory_space<vmem_shared>>)
        tpu.yield
      }) : () -> ()
    }
    %scan3A_7 = arith.constant 81 : i32
    %barrier3A_8 = arith.constant 0 : index
    tpu.barrier barrier_id(%barrier3A_8)
    "tpu.region"() ({
      %run_scoped3A = tpu.sem_alloc : memref<!tpu.dma_semaphore, #tpu.memory_space<semaphore_mem>>
      %dma_start3A = arith.constant 0 : i32
      %dma_start3A_12 = tpu.memref_slice %arg8[%arg0, %mul3A_2, %dma_start3A] : memref<2x10112x128xf32, #tpu.memory_space<hbm>> -> memref<1x632x128xf32, #tpu.memory_space<hbm>>
      %dma_start3A_13 = tpu.memref_squeeze %dma_start3A_12 : memref<1x632x128xf32, #tpu.memory_space<hbm>> -> memref<632x128xf32, #tpu.memory_space<hbm>>
      %dma_start3A_14 = arith.constant 0 : i32
      %dma_start3A_15 = tpu.memref_slice %arg13[%mul3A_2, %dma_start3A_14] : memref<10112x128xf32, #tpu.memory_space<vmem_shared>> -> memref<632x128xf32, #tpu.memory_space<vmem_shared>>
      tpu.enqueue_dma source(%dma_start3A_15 : memref<632x128xf32, #tpu.memory_space<vmem_shared>>) target(%dma_start3A_13 : memref<632x128xf32, #tpu.memory_space<hbm>>) target_semaphore(%run_scoped3A : memref<!tpu.dma_semaphore, #tpu.memory_space<semaphore_mem>>)
      %dma_wait3A = arith.constant 0 : i32
      %dma_wait3A_16 = tpu.memref_slice %arg8[%arg0, %mul3A_2, %dma_wait3A] : memref<2x10112x128xf32, #tpu.memory_space<hbm>> -> memref<1x632x128xf32, #tpu.memory_space<hbm>>
      %dma_wait3A_17 = tpu.memref_squeeze %dma_wait3A_16 : memref<1x632x128xf32, #tpu.memory_space<hbm>> -> memref<632x128xf32, #tpu.memory_space<hbm>>
      %dma_wait3A_18 = arith.constant 0 : i32
      %dma_wait3A_19 = tpu.memref_slice %arg13[%mul3A_2, %dma_wait3A_18] : memref<10112x128xf32, #tpu.memory_space<vmem_shared>> -> memref<632x128xf32, #tpu.memory_space<vmem_shared>>
      tpu.wait_dma2 semaphore(%run_scoped3A : memref<!tpu.dma_semaphore, #tpu.memory_space<semaphore_mem>>) src(%dma_wait3A_19 : memref<632x128xf32, #tpu.memory_space<vmem_shared>>) dst(%dma_wait3A_17 : memref<632x128xf32, #tpu.memory_space<hbm>>)
      tpu.yield
    }) : () -> ()
    "tpu.region"() ({
      %run_scoped3A = tpu.sem_alloc : memref<!tpu.dma_semaphore, #tpu.memory_space<semaphore_mem>>
      %dma_start3A = tpu.memref_slice %arg17[%mul3A_2] : memref<10112xf32, #tpu.memory_space<vmem_shared>> -> memref<632xf32, #tpu.memory_space<vmem_shared>>
      %dma_start3A_12 = tpu.memref_slice %arg17[%mul3A_2] : memref<10112xf32, #tpu.memory_space<vmem_shared>> -> memref<632xf32, #tpu.memory_space<vmem_shared>>
      tpu.enqueue_dma source(%dma_start3A_12 : memref<632xf32, #tpu.memory_space<vmem_shared>>) target(%arg16 : memref<632xf32, #tpu.memory_space<vmem>>) target_semaphore(%run_scoped3A : memref<!tpu.dma_semaphore, #tpu.memory_space<semaphore_mem>>)
      %dma_wait3A = tpu.memref_slice %arg17[%mul3A_2] : memref<10112xf32, #tpu.memory_space<vmem_shared>> -> memref<632xf32, #tpu.memory_space<vmem_shared>>
      %dma_wait3A_13 = tpu.memref_slice %arg17[%mul3A_2] : memref<10112xf32, #tpu.memory_space<vmem_shared>> -> memref<632xf32, #tpu.memory_space<vmem_shared>>
      tpu.wait_dma2 semaphore(%run_scoped3A : memref<!tpu.dma_semaphore, #tpu.memory_space<semaphore_mem>>) src(%dma_wait3A_13 : memref<632xf32, #tpu.memory_space<vmem_shared>>) dst(%arg16 : memref<632xf32, #tpu.memory_space<vmem>>)
      tpu.yield
    }) : () -> ()
    %mul3A_9 = arith.constant 10112 : i32
    %mul3A_10 = arith.muli %arg0, %mul3A_9 : i32
    %add3A_11 = arith.addi %mul3A_10, %mul3A_2 : i32
    "tpu.region"() ({
      %run_scoped3A = tpu.sem_alloc : memref<!tpu.dma_semaphore, #tpu.memory_space<semaphore_mem>>
      %dma_start3A = tpu.memref_slice %arg9[%add3A_11] : memref<20224xf32, #tpu.memory_space<hbm>> -> memref<632xf32, #tpu.memory_space<hbm>>
      %dma_start3A_12 = tpu.memref_slice %arg9[%add3A_11] : memref<20224xf32, #tpu.memory_space<hbm>> -> memref<632xf32, #tpu.memory_space<hbm>>
      tpu.enqueue_dma source(%arg16 : memref<632xf32, #tpu.memory_space<vmem>>) target(%dma_start3A_12 : memref<632xf32, #tpu.memory_space<hbm>>) target_semaphore(%run_scoped3A : memref<!tpu.dma_semaphore, #tpu.memory_space<semaphore_mem>>)
      %dma_wait3A = tpu.memref_slice %arg9[%add3A_11] : memref<20224xf32, #tpu.memory_space<hbm>> -> memref<632xf32, #tpu.memory_space<hbm>>
      %dma_wait3A_13 = tpu.memref_slice %arg9[%add3A_11] : memref<20224xf32, #tpu.memory_space<hbm>> -> memref<632xf32, #tpu.memory_space<hbm>>
      tpu.wait_dma2 semaphore(%run_scoped3A : memref<!tpu.dma_semaphore, #tpu.memory_space<semaphore_mem>>) src(%arg16 : memref<632xf32, #tpu.memory_space<vmem>>) dst(%dma_wait3A_13 : memref<632xf32, #tpu.memory_space<hbm>>)
      tpu.yield
    }) : () -> ()
    return
  }
}

module attributes {stable_mosaic.version = 14 : i64} {
  func.func @_kan_body(%arg0: i32, %arg1: memref<3xf32, #tpu.memory_space<smem>>, %arg2: memref<2000x128xf32, #tpu.memory_space<vmem>>, %arg3: memref<256x128xf32, #tpu.memory_space<vmem>>, %arg4: memref<128x128xf32, #tpu.memory_space<vmem>>, %arg5: memref<2000x128xf32, #tpu.memory_space<vmem>>) attributes {dimension_semantics = [#tpu.dimension_semantics<arbitrary>], iteration_bounds = array<i64: 5>, scalar_prefetch = 0 : i64, scratch_operands = 0 : i64, tpu.core_type = #tpu.core_type<tc>, window_params = [{transform_indices = @transform_0, window_bounds = array<i64: 3>}, {transform_indices = @transform_1, window_bounds = array<i64: 2000, 128>}, {pipeline_mode = #tpu.pipeline_mode<synchronous>, transform_indices = @transform_2, window_bounds = array<i64: 256, 128>}, {pipeline_mode = #tpu.pipeline_mode<synchronous>, transform_indices = @transform_3, window_bounds = array<i64: 128, 128>}, {transform_indices = @transform_4, window_bounds = array<i64: 2000, 128>}]} {
    %get3A = arith.constant 0 : index
    %get3A_0 = arith.constant 0 : index
    %get3A_1 = vector.load %arg2[%get3A, %get3A_0] : memref<2000x128xf32, #tpu.memory_space<vmem>>, vector<2000x128xf32>
    %get3A_2 = arith.constant 0 : index
    %get3A_3 = memref.load %arg1[%get3A_2] : memref<3xf32, #tpu.memory_space<smem>>
    %get3A_4 = arith.constant 1 : index
    %get3A_5 = memref.load %arg1[%get3A_4] : memref<3xf32, #tpu.memory_space<smem>>
    %get3A_6 = arith.constant 2 : index
    %get3A_7 = memref.load %arg1[%get3A_6] : memref<3xf32, #tpu.memory_space<smem>>
    %sub3A = vector.broadcast %get3A_3 : f32 to vector<2000x128xf32>
    %sub3A_8 = arith.subf %get3A_1, %sub3A : vector<2000x128xf32>
    %sub3A_9 = vector.broadcast %get3A_5 : f32 to vector<2000x128xf32>
    %sub3A_10 = arith.subf %get3A_1, %sub3A_9 : vector<2000x128xf32>
    %mul3A = vector.broadcast %get3A_7 : f32 to vector<2000x128xf32>
    %mul3A_11 = arith.mulf %mul3A, %sub3A_8 : vector<2000x128xf32>
    %mul3A_12 = arith.mulf %mul3A_11, %sub3A_8 : vector<2000x128xf32>
    %exp3A = math.exp %mul3A_12 : vector<2000x128xf32>
    %mul3A_13 = vector.broadcast %get3A_7 : f32 to vector<2000x128xf32>
    %mul3A_14 = arith.mulf %mul3A_13, %sub3A_10 : vector<2000x128xf32>
    %mul3A_15 = arith.mulf %mul3A_14, %sub3A_10 : vector<2000x128xf32>
    %exp3A_16 = math.exp %mul3A_15 : vector<2000x128xf32>
    %concatenate3A = tpu.concatenate %exp3A, %exp3A_16 in 1 : vector<2000x128xf32>, vector<2000x128xf32> -> vector<2000x256xf32>
    %logistic3A = arith.negf %get3A_1 : vector<2000x128xf32>
    %logistic3A_17 = math.exp %logistic3A : vector<2000x128xf32>
    %logistic3A_18 = arith.constant 1.000000e+00 : f32
    %logistic3A_19 = vector.broadcast %logistic3A_18 : f32 to vector<2000x128xf32>
    %logistic3A_20 = arith.addf %logistic3A_19, %logistic3A_17 : vector<2000x128xf32>
    %logistic3A_21 = arith.divf %logistic3A_19, %logistic3A_20 : vector<2000x128xf32>
    %mul3A_22 = arith.mulf %get3A_1, %logistic3A_21 : vector<2000x128xf32>
    %get3A_23 = arith.constant 0 : index
    %get3A_24 = arith.constant 0 : index
    %get3A_25 = vector.load %arg3[%get3A_23, %get3A_24] : memref<256x128xf32, #tpu.memory_space<vmem>>, vector<256x128xf32>
    %dot_general3A = arith.constant dense<0.000000e+00> : vector<2000x128xf32>
    %dot_general3A_26 = tpu.matmul %concatenate3A, %get3A_25, %dot_general3A {dimension_numbers = #tpu.dot_dimension_numbers<[1], [0], [0], [1], [0, 0, 1, 1], [], []>, transpose_lhs_hint = false} : vector<2000x256xf32>, vector<256x128xf32>, vector<2000x128xf32> -> vector<2000x128xf32>
    %get3A_27 = arith.constant 0 : index
    %get3A_28 = arith.constant 0 : index
    %get3A_29 = vector.load %arg4[%get3A_27, %get3A_28] : memref<128x128xf32, #tpu.memory_space<vmem>>, vector<128x128xf32>
    %dot_general3A_30 = arith.constant dense<0.000000e+00> : vector<2000x128xf32>
    %dot_general3A_31 = tpu.matmul %mul3A_22, %get3A_29, %dot_general3A_30 {dimension_numbers = #tpu.dot_dimension_numbers<[1], [0], [0], [1], [0, 0, 1, 1], [], []>, transpose_lhs_hint = false} : vector<2000x128xf32>, vector<128x128xf32>, vector<2000x128xf32> -> vector<2000x128xf32>
    %add3A = arith.addf %dot_general3A_26, %dot_general3A_31 : vector<2000x128xf32>
    %swap3A = arith.constant 0 : index
    %swap3A_32 = arith.constant 0 : index
    %swap3A_33 = vector.load %arg5[%swap3A, %swap3A_32] : memref<2000x128xf32, #tpu.memory_space<vmem>>, vector<2000x128xf32>
    tpu.vector_store %arg5[%swap3A, %swap3A_32], %add3A {strides = array<i32>} : memref<2000x128xf32, #tpu.memory_space<vmem>>, vector<2000x128xf32>,
    return
  }
  func.func @transform_0(%arg0: i32) -> i32 {
    %c0_i32 = arith.constant 0 : i32
    %c0_i32_0 = arith.constant 0 : i32
    return %c0_i32 : i32
  }
  func.func @transform_1(%arg0: i32) -> (i32, i32) {
    %c0_i32 = arith.constant 0 : i32
    %c0_i32_0 = arith.constant 0 : i32
    return %arg0, %c0_i32 : i32, i32
  }
  func.func @transform_2(%arg0: i32) -> (i32, i32) {
    %c0_i32 = arith.constant 0 : i32
    %c0_i32_0 = arith.constant 0 : i32
    %c0_i32_1 = arith.constant 0 : i32
    return %c0_i32, %c0_i32_0 : i32, i32
  }
  func.func @transform_3(%arg0: i32) -> (i32, i32) {
    %c0_i32 = arith.constant 0 : i32
    %c0_i32_0 = arith.constant 0 : i32
    %c0_i32_1 = arith.constant 0 : i32
    return %c0_i32, %c0_i32_0 : i32, i32
  }
  func.func @transform_4(%arg0: i32) -> (i32, i32) {
    %c0_i32 = arith.constant 0 : i32
    %c0_i32_0 = arith.constant 0 : i32
    return %arg0, %c0_i32 : i32, i32
  }
}

module attributes {stable_mosaic.version = 14 : i64} {
  func.func @_norm_kan_body(%arg0: i32, %arg1: memref<3xf32, #tpu.memory_space<smem>>, %arg2: memref<2x2000x128xf32, #tpu.memory_space<vmem>>, %arg3: memref<2x2000x1xf32, #tpu.memory_space<vmem>>, %arg4: memref<256x128xf32, #tpu.memory_space<vmem>>, %arg5: memref<128x128xf32, #tpu.memory_space<vmem>>, %arg6: memref<2000x128xf32, #tpu.memory_space<vmem>>) attributes {dimension_semantics = [#tpu.dimension_semantics<arbitrary>], iteration_bounds = array<i64: 5>, scalar_prefetch = 0 : i64, scratch_operands = 0 : i64, tpu.core_type = #tpu.core_type<tc>, window_params = [{transform_indices = @transform_0, window_bounds = array<i64: 3>}, {transform_indices = @transform_1, window_bounds = array<i64: 2, 2000, 128>}, {transform_indices = @transform_2, window_bounds = array<i64: 2, 2000, 1>}, {pipeline_mode = #tpu.pipeline_mode<synchronous>, transform_indices = @transform_3, window_bounds = array<i64: 256, 128>}, {pipeline_mode = #tpu.pipeline_mode<synchronous>, transform_indices = @transform_4, window_bounds = array<i64: 128, 128>}, {transform_indices = @transform_5, window_bounds = array<i64: 2000, 128>}]} {
    %get3A = arith.constant 0 : index
    %get3A_0 = arith.constant 0 : index
    %get3A_1 = arith.constant 0 : index
    %get3A_2 = vector.load %arg2[%get3A, %get3A_0, %get3A_1] : memref<2x2000x128xf32, #tpu.memory_space<vmem>>, vector<1x2000x128xf32>
    %get3A_3 = vector.shape_cast %get3A_2 : vector<1x2000x128xf32> to vector<2000x128xf32>
    %get3A_4 = arith.constant 1 : index
    %get3A_5 = arith.constant 0 : index
    %get3A_6 = arith.constant 0 : index
    %get3A_7 = vector.load %arg2[%get3A_4, %get3A_5, %get3A_6] : memref<2x2000x128xf32, #tpu.memory_space<vmem>>, vector<1x2000x128xf32>
    %get3A_8 = vector.shape_cast %get3A_7 : vector<1x2000x128xf32> to vector<2000x128xf32>
    %add3A = arith.addf %get3A_3, %get3A_8 : vector<2000x128xf32>
    %get3A_9 = arith.constant 0 : index
    %get3A_10 = arith.constant 0 : index
    %get3A_11 = arith.constant 0 : index
    %get3A_12 = vector.load %arg3[%get3A_9, %get3A_10, %get3A_11] : memref<2x2000x1xf32, #tpu.memory_space<vmem>>, vector<1x2000x1xf32>
    %get3A_13 = vector.shape_cast %get3A_12 : vector<1x2000x1xf32> to vector<2000x1xf32>
    %get3A_14 = arith.constant 1 : index
    %get3A_15 = arith.constant 0 : index
    %get3A_16 = arith.constant 0 : index
    %get3A_17 = vector.load %arg3[%get3A_14, %get3A_15, %get3A_16] : memref<2x2000x1xf32, #tpu.memory_space<vmem>>, vector<1x2000x1xf32>
    %get3A_18 = vector.shape_cast %get3A_17 : vector<1x2000x1xf32> to vector<2000x1xf32>
    %add3A_19 = arith.addf %get3A_13, %get3A_18 : vector<2000x1xf32>
    %max3A = arith.constant 1.000000e+00 : f32
    %max3A_20 = vector.broadcast %max3A : f32 to vector<2000x1xf32>
    %max3A_21 = arith.maximumf %add3A_19, %max3A_20 : vector<2000x1xf32>
    %div3A = vector.broadcast %max3A_21 : vector<2000x1xf32> to vector<2000x128xf32>
    %div3A_22 = arith.divf %add3A, %div3A : vector<2000x128xf32>
    %reduce_sum3A = arith.constant dense<0.000000e+00> : vector<2000xf32>
    %reduce_sum3A_23 = vector.multi_reduction <add>, %div3A_22, %reduce_sum3A [1] : vector<2000x128xf32> to vector<2000xf32>
    %broadcast_in_dim3A = vector.shape_cast %reduce_sum3A_23 : vector<2000xf32> to vector<2000x1xf32>
    %div3A_24 = arith.constant 1.280000e+02 : f32
    %div3A_25 = vector.broadcast %div3A_24 : f32 to vector<2000x1xf32>
    %div3A_26 = arith.divf %broadcast_in_dim3A, %div3A_25 : vector<2000x1xf32>
    %sub3A = vector.broadcast %div3A_26 : vector<2000x1xf32> to vector<2000x128xf32>
    %sub3A_27 = arith.subf %div3A_22, %sub3A : vector<2000x128xf32>
    %mul3A = arith.mulf %sub3A_27, %sub3A_27 : vector<2000x128xf32>
    %reduce_sum3A_28 = arith.constant dense<0.000000e+00> : vector<2000xf32>
    %reduce_sum3A_29 = vector.multi_reduction <add>, %mul3A, %reduce_sum3A_28 [1] : vector<2000x128xf32> to vector<2000xf32>
    %broadcast_in_dim3A_30 = vector.shape_cast %reduce_sum3A_29 : vector<2000xf32> to vector<2000x1xf32>
    %div3A_31 = arith.constant 1.280000e+02 : f32
    %div3A_32 = vector.broadcast %div3A_31 : f32 to vector<2000x1xf32>
    %div3A_33 = arith.divf %broadcast_in_dim3A_30, %div3A_32 : vector<2000x1xf32>
    %add3A_34 = arith.constant 9.99999974E-6 : f32
    %add3A_35 = vector.broadcast %add3A_34 : f32 to vector<2000x1xf32>
    %add3A_36 = arith.addf %div3A_33, %add3A_35 : vector<2000x1xf32>
    %rsqrt3A = math.rsqrt %add3A_36 : vector<2000x1xf32>
    %mul3A_37 = vector.broadcast %rsqrt3A : vector<2000x1xf32> to vector<2000x128xf32>
    %mul3A_38 = arith.mulf %sub3A_27, %mul3A_37 : vector<2000x128xf32>
    %get3A_39 = arith.constant 0 : index
    %get3A_40 = memref.load %arg1[%get3A_39] : memref<3xf32, #tpu.memory_space<smem>>
    %get3A_41 = arith.constant 1 : index
    %get3A_42 = memref.load %arg1[%get3A_41] : memref<3xf32, #tpu.memory_space<smem>>
    %get3A_43 = arith.constant 2 : index
    %get3A_44 = memref.load %arg1[%get3A_43] : memref<3xf32, #tpu.memory_space<smem>>
    %sub3A_45 = vector.broadcast %get3A_40 : f32 to vector<2000x128xf32>
    %sub3A_46 = arith.subf %mul3A_38, %sub3A_45 : vector<2000x128xf32>
    %sub3A_47 = vector.broadcast %get3A_42 : f32 to vector<2000x128xf32>
    %sub3A_48 = arith.subf %mul3A_38, %sub3A_47 : vector<2000x128xf32>
    %mul3A_49 = vector.broadcast %get3A_44 : f32 to vector<2000x128xf32>
    %mul3A_50 = arith.mulf %mul3A_49, %sub3A_46 : vector<2000x128xf32>
    %mul3A_51 = arith.mulf %mul3A_50, %sub3A_46 : vector<2000x128xf32>
    %exp3A = math.exp %mul3A_51 : vector<2000x128xf32>
    %mul3A_52 = vector.broadcast %get3A_44 : f32 to vector<2000x128xf32>
    %mul3A_53 = arith.mulf %mul3A_52, %sub3A_48 : vector<2000x128xf32>
    %mul3A_54 = arith.mulf %mul3A_53, %sub3A_48 : vector<2000x128xf32>
    %exp3A_55 = math.exp %mul3A_54 : vector<2000x128xf32>
    %concatenate3A = tpu.concatenate %exp3A, %exp3A_55 in 1 : vector<2000x128xf32>, vector<2000x128xf32> -> vector<2000x256xf32>
    %logistic3A = arith.negf %mul3A_38 : vector<2000x128xf32>
    %logistic3A_56 = math.exp %logistic3A : vector<2000x128xf32>
    %logistic3A_57 = arith.constant 1.000000e+00 : f32
    %logistic3A_58 = vector.broadcast %logistic3A_57 : f32 to vector<2000x128xf32>
    %logistic3A_59 = arith.addf %logistic3A_58, %logistic3A_56 : vector<2000x128xf32>
    %logistic3A_60 = arith.divf %logistic3A_58, %logistic3A_59 : vector<2000x128xf32>
    %mul3A_61 = arith.mulf %mul3A_38, %logistic3A_60 : vector<2000x128xf32>
    %get3A_62 = arith.constant 0 : index
    %get3A_63 = arith.constant 0 : index
    %get3A_64 = vector.load %arg4[%get3A_62, %get3A_63] : memref<256x128xf32, #tpu.memory_space<vmem>>, vector<256x128xf32>
    %dot_general3A = arith.constant dense<0.000000e+00> : vector<2000x128xf32>
    %dot_general3A_65 = tpu.matmul %concatenate3A, %get3A_64, %dot_general3A {dimension_numbers = #tpu.dot_dimension_numbers<[1], [0], [0], [1], [0, 0, 1, 1], [], []>, transpose_lhs_hint = false} : vector<2000x256xf32>, vector<256x128xf32>, vector<2000x128xf32> -> vector<2000x128xf32>
    %get3A_66 = arith.constant 0 : index
    %get3A_67 = arith.constant 0 : index
    %get3A_68 = vector.load %arg5[%get3A_66, %get3A_67] : memref<128x128xf32, #tpu.memory_space<vmem>>, vector<128x128xf32>
    %dot_general3A_69 = arith.constant dense<0.000000e+00> : vector<2000x128xf32>
    %dot_general3A_70 = tpu.matmul %mul3A_61, %get3A_68, %dot_general3A_69 {dimension_numbers = #tpu.dot_dimension_numbers<[1], [0], [0], [1], [0, 0, 1, 1], [], []>, transpose_lhs_hint = false} : vector<2000x128xf32>, vector<128x128xf32>, vector<2000x128xf32> -> vector<2000x128xf32>
    %add3A_71 = arith.addf %dot_general3A_65, %dot_general3A_70 : vector<2000x128xf32>
    %swap3A = arith.constant 0 : index
    %swap3A_72 = arith.constant 0 : index
    %swap3A_73 = vector.load %arg6[%swap3A, %swap3A_72] : memref<2000x128xf32, #tpu.memory_space<vmem>>, vector<2000x128xf32>
    tpu.vector_store %arg6[%swap3A, %swap3A_72], %add3A_71 {strides = array<i32>} : memref<2000x128xf32, #tpu.memory_space<vmem>>, vector<2000x128xf32>,
    return
  }
  func.func @transform_0(%arg0: i32) -> i32 {
    %c0_i32 = arith.constant 0 : i32
    %c0_i32_0 = arith.constant 0 : i32
    return %c0_i32 : i32
  }
  func.func @transform_1(%arg0: i32) -> (i32, i32, i32) {
    %c0_i32 = arith.constant 0 : i32
    %c0_i32_0 = arith.constant 0 : i32
    %c0_i32_1 = arith.constant 0 : i32
    return %c0_i32, %arg0, %c0_i32_0 : i32, i32, i32
  }
  func.func @transform_2(%arg0: i32) -> (i32, i32, i32) {
    %c0_i32 = arith.constant 0 : i32
    %c0_i32_0 = arith.constant 0 : i32
    %c0_i32_1 = arith.constant 0 : i32
    return %c0_i32, %arg0, %c0_i32_0 : i32, i32, i32
  }
  func.func @transform_3(%arg0: i32) -> (i32, i32) {
    %c0_i32 = arith.constant 0 : i32
    %c0_i32_0 = arith.constant 0 : i32
    %c0_i32_1 = arith.constant 0 : i32
    return %c0_i32, %c0_i32_0 : i32, i32
  }
  func.func @transform_4(%arg0: i32) -> (i32, i32) {
    %c0_i32 = arith.constant 0 : i32
    %c0_i32_0 = arith.constant 0 : i32
    %c0_i32_1 = arith.constant 0 : i32
    return %c0_i32, %c0_i32_0 : i32, i32
  }
  func.func @transform_5(%arg0: i32) -> (i32, i32) {
    %c0_i32 = arith.constant 0 : i32
    %c0_i32_0 = arith.constant 0 : i32
    return %arg0, %c0_i32 : i32, i32
  }
}

module attributes {stable_mosaic.version = 14 : i64} {
  func.func @_norm_kan_lsm_body(%arg0: i32, %arg1: memref<3xf32, #tpu.memory_space<smem>>, %arg2: memref<2x2000x128xf32, #tpu.memory_space<vmem>>, %arg3: memref<2x2000x1xf32, #tpu.memory_space<vmem>>, %arg4: memref<256x128xf32, #tpu.memory_space<vmem>>, %arg5: memref<128x128xf32, #tpu.memory_space<vmem>>, %arg6: memref<2000x128xf32, #tpu.memory_space<vmem>>) attributes {dimension_semantics = [#tpu.dimension_semantics<arbitrary>], iteration_bounds = array<i64: 5>, scalar_prefetch = 0 : i64, scratch_operands = 0 : i64, tpu.core_type = #tpu.core_type<tc>, window_params = [{transform_indices = @transform_0, window_bounds = array<i64: 3>}, {transform_indices = @transform_1, window_bounds = array<i64: 2, 2000, 128>}, {transform_indices = @transform_2, window_bounds = array<i64: 2, 2000, 1>}, {pipeline_mode = #tpu.pipeline_mode<synchronous>, transform_indices = @transform_3, window_bounds = array<i64: 256, 128>}, {pipeline_mode = #tpu.pipeline_mode<synchronous>, transform_indices = @transform_4, window_bounds = array<i64: 128, 128>}, {transform_indices = @transform_5, window_bounds = array<i64: 2000, 128>}]} {
    %get3A = arith.constant 0 : index
    %get3A_0 = arith.constant 0 : index
    %get3A_1 = arith.constant 0 : index
    %get3A_2 = vector.load %arg2[%get3A, %get3A_0, %get3A_1] : memref<2x2000x128xf32, #tpu.memory_space<vmem>>, vector<1x2000x128xf32>
    %get3A_3 = vector.shape_cast %get3A_2 : vector<1x2000x128xf32> to vector<2000x128xf32>
    %get3A_4 = arith.constant 1 : index
    %get3A_5 = arith.constant 0 : index
    %get3A_6 = arith.constant 0 : index
    %get3A_7 = vector.load %arg2[%get3A_4, %get3A_5, %get3A_6] : memref<2x2000x128xf32, #tpu.memory_space<vmem>>, vector<1x2000x128xf32>
    %get3A_8 = vector.shape_cast %get3A_7 : vector<1x2000x128xf32> to vector<2000x128xf32>
    %add3A = arith.addf %get3A_3, %get3A_8 : vector<2000x128xf32>
    %get3A_9 = arith.constant 0 : index
    %get3A_10 = arith.constant 0 : index
    %get3A_11 = arith.constant 0 : index
    %get3A_12 = vector.load %arg3[%get3A_9, %get3A_10, %get3A_11] : memref<2x2000x1xf32, #tpu.memory_space<vmem>>, vector<1x2000x1xf32>
    %get3A_13 = vector.shape_cast %get3A_12 : vector<1x2000x1xf32> to vector<2000x1xf32>
    %get3A_14 = arith.constant 1 : index
    %get3A_15 = arith.constant 0 : index
    %get3A_16 = arith.constant 0 : index
    %get3A_17 = vector.load %arg3[%get3A_14, %get3A_15, %get3A_16] : memref<2x2000x1xf32, #tpu.memory_space<vmem>>, vector<1x2000x1xf32>
    %get3A_18 = vector.shape_cast %get3A_17 : vector<1x2000x1xf32> to vector<2000x1xf32>
    %add3A_19 = arith.addf %get3A_13, %get3A_18 : vector<2000x1xf32>
    %max3A = arith.constant 1.000000e+00 : f32
    %max3A_20 = vector.broadcast %max3A : f32 to vector<2000x1xf32>
    %max3A_21 = arith.maximumf %add3A_19, %max3A_20 : vector<2000x1xf32>
    %div3A = vector.broadcast %max3A_21 : vector<2000x1xf32> to vector<2000x128xf32>
    %div3A_22 = arith.divf %add3A, %div3A : vector<2000x128xf32>
    %reduce_sum3A = arith.constant dense<0.000000e+00> : vector<2000xf32>
    %reduce_sum3A_23 = vector.multi_reduction <add>, %div3A_22, %reduce_sum3A [1] : vector<2000x128xf32> to vector<2000xf32>
    %broadcast_in_dim3A = vector.shape_cast %reduce_sum3A_23 : vector<2000xf32> to vector<2000x1xf32>
    %div3A_24 = arith.constant 1.280000e+02 : f32
    %div3A_25 = vector.broadcast %div3A_24 : f32 to vector<2000x1xf32>
    %div3A_26 = arith.divf %broadcast_in_dim3A, %div3A_25 : vector<2000x1xf32>
    %sub3A = vector.broadcast %div3A_26 : vector<2000x1xf32> to vector<2000x128xf32>
    %sub3A_27 = arith.subf %div3A_22, %sub3A : vector<2000x128xf32>
    %mul3A = arith.mulf %sub3A_27, %sub3A_27 : vector<2000x128xf32>
    %reduce_sum3A_28 = arith.constant dense<0.000000e+00> : vector<2000xf32>
    %reduce_sum3A_29 = vector.multi_reduction <add>, %mul3A, %reduce_sum3A_28 [1] : vector<2000x128xf32> to vector<2000xf32>
    %broadcast_in_dim3A_30 = vector.shape_cast %reduce_sum3A_29 : vector<2000xf32> to vector<2000x1xf32>
    %div3A_31 = arith.constant 1.280000e+02 : f32
    %div3A_32 = vector.broadcast %div3A_31 : f32 to vector<2000x1xf32>
    %div3A_33 = arith.divf %broadcast_in_dim3A_30, %div3A_32 : vector<2000x1xf32>
    %add3A_34 = arith.constant 9.99999974E-6 : f32
    %add3A_35 = vector.broadcast %add3A_34 : f32 to vector<2000x1xf32>
    %add3A_36 = arith.addf %div3A_33, %add3A_35 : vector<2000x1xf32>
    %rsqrt3A = math.rsqrt %add3A_36 : vector<2000x1xf32>
    %mul3A_37 = vector.broadcast %rsqrt3A : vector<2000x1xf32> to vector<2000x128xf32>
    %mul3A_38 = arith.mulf %sub3A_27, %mul3A_37 : vector<2000x128xf32>
    %get3A_39 = arith.constant 0 : index
    %get3A_40 = memref.load %arg1[%get3A_39] : memref<3xf32, #tpu.memory_space<smem>>
    %get3A_41 = arith.constant 1 : index
    %get3A_42 = memref.load %arg1[%get3A_41] : memref<3xf32, #tpu.memory_space<smem>>
    %get3A_43 = arith.constant 2 : index
    %get3A_44 = memref.load %arg1[%get3A_43] : memref<3xf32, #tpu.memory_space<smem>>
    %sub3A_45 = vector.broadcast %get3A_40 : f32 to vector<2000x128xf32>
    %sub3A_46 = arith.subf %mul3A_38, %sub3A_45 : vector<2000x128xf32>
    %sub3A_47 = vector.broadcast %get3A_42 : f32 to vector<2000x128xf32>
    %sub3A_48 = arith.subf %mul3A_38, %sub3A_47 : vector<2000x128xf32>
    %mul3A_49 = vector.broadcast %get3A_44 : f32 to vector<2000x128xf32>
    %mul3A_50 = arith.mulf %mul3A_49, %sub3A_46 : vector<2000x128xf32>
    %mul3A_51 = arith.mulf %mul3A_50, %sub3A_46 : vector<2000x128xf32>
    %exp3A = math.exp %mul3A_51 : vector<2000x128xf32>
    %mul3A_52 = vector.broadcast %get3A_44 : f32 to vector<2000x128xf32>
    %mul3A_53 = arith.mulf %mul3A_52, %sub3A_48 : vector<2000x128xf32>
    %mul3A_54 = arith.mulf %mul3A_53, %sub3A_48 : vector<2000x128xf32>
    %exp3A_55 = math.exp %mul3A_54 : vector<2000x128xf32>
    %concatenate3A = tpu.concatenate %exp3A, %exp3A_55 in 1 : vector<2000x128xf32>, vector<2000x128xf32> -> vector<2000x256xf32>
    %logistic3A = arith.negf %mul3A_38 : vector<2000x128xf32>
    %logistic3A_56 = math.exp %logistic3A : vector<2000x128xf32>
    %logistic3A_57 = arith.constant 1.000000e+00 : f32
    %logistic3A_58 = vector.broadcast %logistic3A_57 : f32 to vector<2000x128xf32>
    %logistic3A_59 = arith.addf %logistic3A_58, %logistic3A_56 : vector<2000x128xf32>
    %logistic3A_60 = arith.divf %logistic3A_58, %logistic3A_59 : vector<2000x128xf32>
    %mul3A_61 = arith.mulf %mul3A_38, %logistic3A_60 : vector<2000x128xf32>
    %get3A_62 = arith.constant 0 : index
    %get3A_63 = arith.constant 0 : index
    %get3A_64 = vector.load %arg4[%get3A_62, %get3A_63] : memref<256x128xf32, #tpu.memory_space<vmem>>, vector<256x128xf32>
    %dot_general3A = arith.constant dense<0.000000e+00> : vector<2000x128xf32>
    %dot_general3A_65 = tpu.matmul %concatenate3A, %get3A_64, %dot_general3A {dimension_numbers = #tpu.dot_dimension_numbers<[1], [0], [0], [1], [0, 0, 1, 1], [], []>, transpose_lhs_hint = false} : vector<2000x256xf32>, vector<256x128xf32>, vector<2000x128xf32> -> vector<2000x128xf32>
    %get3A_66 = arith.constant 0 : index
    %get3A_67 = arith.constant 0 : index
    %get3A_68 = vector.load %arg5[%get3A_66, %get3A_67] : memref<128x128xf32, #tpu.memory_space<vmem>>, vector<128x128xf32>
    %dot_general3A_69 = arith.constant dense<0.000000e+00> : vector<2000x128xf32>
    %dot_general3A_70 = tpu.matmul %mul3A_61, %get3A_68, %dot_general3A_69 {dimension_numbers = #tpu.dot_dimension_numbers<[1], [0], [0], [1], [0, 0, 1, 1], [], []>, transpose_lhs_hint = false} : vector<2000x128xf32>, vector<128x128xf32>, vector<2000x128xf32> -> vector<2000x128xf32>
    %add3A_71 = arith.addf %dot_general3A_65, %dot_general3A_70 : vector<2000x128xf32>
    %reduce_max3A = arith.constant dense<0xFF800000> : vector<2000xf32>
    %reduce_max3A_72 = vector.multi_reduction <maximumf>, %add3A_71, %reduce_max3A [1] : vector<2000x128xf32> to vector<2000xf32>
    %broadcast_in_dim3A_73 = vector.shape_cast %reduce_max3A_72 : vector<2000xf32> to vector<2000x1xf32>
    %sub3A_74 = vector.broadcast %broadcast_in_dim3A_73 : vector<2000x1xf32> to vector<2000x128xf32>
    %sub3A_75 = arith.subf %add3A_71, %sub3A_74 : vector<2000x128xf32>
    %exp3A_76 = math.exp %sub3A_75 : vector<2000x128xf32>
    %reduce_sum3A_77 = arith.constant dense<0.000000e+00> : vector<2000xf32>
    %reduce_sum3A_78 = vector.multi_reduction <add>, %exp3A_76, %reduce_sum3A_77 [1] : vector<2000x128xf32> to vector<2000xf32>
    %broadcast_in_dim3A_79 = vector.shape_cast %reduce_sum3A_78 : vector<2000xf32> to vector<2000x1xf32>
    %log3A = math.log %broadcast_in_dim3A_79 : vector<2000x1xf32>
    %sub3A_80 = vector.broadcast %log3A : vector<2000x1xf32> to vector<2000x128xf32>
    %sub3A_81 = arith.subf %sub3A_75, %sub3A_80 : vector<2000x128xf32>
    %swap3A = arith.constant 0 : index
    %swap3A_82 = arith.constant 0 : index
    %swap3A_83 = vector.load %arg6[%swap3A, %swap3A_82] : memref<2000x128xf32, #tpu.memory_space<vmem>>, vector<2000x128xf32>
    tpu.vector_store %arg6[%swap3A, %swap3A_82], %sub3A_81 {strides = array<i32>} : memref<2000x128xf32, #tpu.memory_space<vmem>>, vector<2000x128xf32>,
    return
  }
  func.func @transform_0(%arg0: i32) -> i32 {
    %c0_i32 = arith.constant 0 : i32
    %c0_i32_0 = arith.constant 0 : i32
    return %c0_i32 : i32
  }
  func.func @transform_1(%arg0: i32) -> (i32, i32, i32) {
    %c0_i32 = arith.constant 0 : i32
    %c0_i32_0 = arith.constant 0 : i32
    %c0_i32_1 = arith.constant 0 : i32
    return %c0_i32, %arg0, %c0_i32_0 : i32, i32, i32
  }
  func.func @transform_2(%arg0: i32) -> (i32, i32, i32) {
    %c0_i32 = arith.constant 0 : i32
    %c0_i32_0 = arith.constant 0 : i32
    %c0_i32_1 = arith.constant 0 : i32
    return %c0_i32, %arg0, %c0_i32_0 : i32, i32, i32
  }
  func.func @transform_3(%arg0: i32) -> (i32, i32) {
    %c0_i32 = arith.constant 0 : i32
    %c0_i32_0 = arith.constant 0 : i32
    %c0_i32_1 = arith.constant 0 : i32
    return %c0_i32, %c0_i32_0 : i32, i32
  }
  func.func @transform_4(%arg0: i32) -> (i32, i32) {
    %c0_i32 = arith.constant 0 : i32
    %c0_i32_0 = arith.constant 0 : i32
    %c0_i32_1 = arith.constant 0 : i32
    return %c0_i32, %c0_i32_0 : i32, i32
  }
  func.func @transform_5(%arg0: i32) -> (i32, i32) {
    %c0_i32 = arith.constant 0 : i32
    %c0_i32_0 = arith.constant 0 : i32
    return %arg0, %c0_i32 : i32, i32
  }
}

</mosaic_0001>

<sc_bundles>
// kernel: kernel.10.cloned.1.call-start
scs
__scs_entry_jumppad:
0x0: {  	(pc) =	sbr.rel $0x88, $3  }
0x1: {  	(tag) =	ssettag $0x0;
	lr =	simm.s32 $0x1  }
0x2: {  	[smem:$0x3F96] =	sst lr;
	_ =	strace $0xD0000000  }
0x3: {  	_ = 	snop  }
0x4: {  	_ = 	snop  }
0x5: {  	_ = 	snop  }
0x6: {  	_ = 	snop  }
0x7: {  	_ = 	snop  }
__scs_overlays_trampoline_lowered:
0x8: {  	[smem:$0x3FA5] =	sst s0  }
0x9: {  	[smem:$0x3FA6] =	sst s1  }
0xa: {  	[smem:$0x3FA7] =	sst s2  }
0xb: {  	[smem:$0x3FA8] =	sst s3  }
0xc: {  	[smem:$0x3FA9] =	sst s4  }
0xd: {  	[smem:$0x3FAA] =	sst s5  }
0xe: {  	[smem:$0x3FAB] =	sst s6  }
0xf: {  	[smem:$0x3FAC] =	sst s7  }
0x10: {  	[smem:$0x3FAD] =	sst s8  }
0x11: {  	[smem:$0x3FAE] =	sst s9;
	s0 =	simm.s32 @!p0 $0x0  }
0x12: {  	s1 =	sld [smem:$0x3F94];
	s0 =	simm.s32 @p0 $0x1  }
0x13: {  	[smem:$0x3FAF] =	sst s0;
	s0 =	simm.s32 @!p1 $0x0  }
0x14: {  	s2 =	sld [smem:$0x3F93];
	s0 =	simm.s32 @p1 $0x1  }
0x15: {  	[smem:$0x3FB0] =	sst s0;
	s0 =	simm.s32 @!p2 $0x0  }
0x16: {  	s3 =	sld [smem:$0x3FDB];
	s0 =	simm.s32 @p2 $0x1  }
0x17: {  	s4 =	simm.s32 $0x1BF5;
	[smem:$0x3FB2] =	sst s0  }
0x18: {  	s0 =	sld [smem:$0x3F95];
	_ =	swait.ge [sflag:s4], $0x0  }
0x19: {  	s7 =	sld [smem:$0x3F96]  }
0x1a: {  	s8 =	sadd.s32 $0xFFFFE003, lr  }
0x1b: {  	s9 =	sadd.s32 $0xFFFFFEF7, lr;
	s5 =	simm.s32 $0xFFFFFFFF;
	p2 =	slt.u32 s8, $0xFFFFF086  }
0x1c: {  	p1 =	slt.u32 s9, $0xF7A;
	s5 =	simm.s32 @!p2 $0x0  }
0x1d: {  	s5 =	simm.s32 @p1 $0x1;
	p0 =	seq.s32 s7, s2  }
0x1e: {  	s7 =	smul.u32 @!p0 $0xF7A, s2;
	p2 =	seq.s32 @!p0 s5, $0x0  }
0x1f: {  	s9 =	smul.u32 $0xF7A, s1;
	s8 =	simm.s32 @!p0 $0x1BF5;
	p2 =	por !p2, p0  }
0x20: {  	[sflag:s8] =	ssyncset.s32 @!p0 $0xFFFFF086;
	s6 =	sadd.s32 @!p0 s3, s7;
	s7 =	simm.s32 @!p0 $0x108  }
0x21: {  	s3 =	sadd.s32 s3, s9;
	s6 =	sadd.s32 @!p0 $0x88, s6;
	s7 =	simm.s32 @p2 $0x1082  }
0x22: {  	[simem:s7], [sflag:s8] =	dma.local @!p0 [hbm:s6], $0xF7A  }
0x23: {  	s9 =	sor.u32 $0xD0000000, s2;
	s6 =	simm.s32 $0x108;
	_ =	swait.ge @!p0 [sflag:s8], $0x0  }
0x24: {  	s3 =	sadd.s32 $0x88, s3;
	s6 =	simm.s32 @!p1 $0x1082;
	[sflag:s4] =	ssyncset.s32 $0xFFFFF086  }
0x25: {  	[simem:s6], [sflag:s4] =	dma.local [hbm:s3], $0xF7A  }
0x26: {  	[smem:$0x3F96] =	sst s1;
	(tag) =	ssettag s2;
	_ =	strace s9  }
0x27: {  	s1 =	sld [smem:$0x3FA6]  }
0x28: {  	s2 =	sld [smem:$0x3FA7]  }
0x29: {  	s4 =	sld [smem:$0x3FA9]  }
0x2a: {  	p0 =	seq.s32 s5, $0x0;
	s5 =	sld [smem:$0x3FAA]  }
0x2b: {  	s6 =	sld [smem:$0x3FAB]  }
0x2c: {  	s7 =	sld [smem:$0x3FAC]  }
0x2d: {  	s3 =	simm.s32 $0x108;
	s8 =	sld [smem:$0x3FAD]  }
0x2e: {  	s3 =	simm.s32 @!p0 $0x1082;
	s9 =	sld [smem:$0x3FAE]  }
0x2f: {  	lr =	sadd.s32 s0, s3;
	s0 =	sld [smem:$0x3FA5]  }
0x30: {  	s3 =	sld [smem:$0x3FA8]  }
0x31: {  	[smem:$0x3FB1] =	sst s10  }
0x32: {  	s10 =	sld [smem:$0x3FAF];
	_ =	sdelay $0x3  }
0x33: {  	p0 =	seq.s32 s10, $0x1;
	s10 =	sld [smem:$0x3FB1];
	_ =	sdelay $0x3  }
0x34: {  	[smem:$0x3FB1] =	sst s10  }
0x35: {  	s10 =	sld [smem:$0x3FB0];
	_ =	sdelay $0x3  }
0x36: {  	p1 =	seq.s32 s10, $0x1;
	s10 =	sld [smem:$0x3FB1];
	_ =	sdelay $0x3  }
0x37: {  	[smem:$0x3FB1] =	sst s10  }
0x38: {  	s10 =	sld [smem:$0x3FB2]  }
0x39: {  	_ = 	snop;
	(pc) =	sbr.ind lr, $3  }
0x3a: {  	_ = 	snop  }
0x3b: {  	_ = 	snop  }
0x3c: {  	p2 =	seq.s32 s10, $0x1;
	s10 =	sld [smem:$0x3FB1]  }
0x3d: {  	_ =	shalt  }
0x3e: {  	_ =	shalt  }
0x3f: {  	_ =	shalt  }
0x40: {  	_ =	shalt  }
0x41: {  	_ =	shalt  }
0x42: {  	_ =	shalt  }
0x43: {  	_ =	shalt  }
0x44: {  	_ =	shalt  }
0x45: {  	_ =	shalt  }
0x46: {  	_ =	shalt  }
0x47: {  	_ =	shalt  }
0x48: {  	_ =	shalt  }
0x49: {  	_ =	shalt  }
0x4a: {  	_ =	shalt  }
0x4b: {  	_ =	shalt  }
0x4c: {  	_ =	shalt  }
0x4d: {  	_ =	shalt  }
0x4e: {  	_ =	shalt  }
0x4f: {  	_ =	shalt  }
0x50: {  	_ =	shalt  }
0x51: {  	_ =	shalt  }
0x52: {  	_ =	shalt  }
0x53: {  	_ =	shalt  }
0x54: {  	_ =	shalt  }
0x55: {  	_ =	shalt  }
0x56: {  	_ =	shalt  }
0x57: {  	_ =	shalt  }
0x58: {  	_ =	shalt  }
0x59: {  	_ =	shalt  }
0x5a: {  	_ =	shalt  }
0x5b: {  	_ =	shalt  }
0x5c: {  	_ =	shalt  }
0x5d: {  	_ =	shalt  }
0x5e: {  	_ =	shalt  }
0x5f: {  	_ =	shalt  }
0x60: {  	_ =	shalt  }
0x61: {  	_ =	shalt  }
0x62: {  	_ =	shalt  }
0x63: {  	_ =	shalt  }
0x64: {  	_ =	shalt  }
0x65: {  	_ =	shalt  }
0x66: {  	_ =	shalt  }
0x67: {  	_ =	shalt  }
0x68: {  	_ =	shalt  }
0x69: {  	_ =	shalt  }
0x6a: {  	_ =	shalt  }
0x6b: {  	_ =	shalt  }
0x6c: {  	_ =	shalt  }
0x6d: {  	_ =	shalt  }
0x6e: {  	_ =	shalt  }
0x6f: {  	_ =	shalt  }
0x70: {  	_ =	shalt  }
0x71: {  	_ =	shalt  }
0x72: {  	_ =	shalt  }
0x73: {  	_ =	shalt  }
0x74: {  	_ =	shalt  }
0x75: {  	_ =	shalt  }
0x76: {  	_ =	shalt  }
0x77: {  	_ =	shalt  }
0x78: {  	_ =	shalt  }
0x79: {  	_ =	shalt  }
0x7a: {  	_ =	shalt  }
0x7b: {  	_ =	shalt  }
0x7c: {  	_ =	shalt  }
0x7d: {  	_ =	shalt  }
0x7e: {  	_ =	shalt  }
0x7f: {  	_ =	shalt  }
0x80: {  	_ =	shalt  }
0x81: {  	_ =	shalt  }
0x82: {  	_ =	shalt  }
0x83: {  	_ =	shalt  }
0x84: {  	_ =	shalt  }
0x85: {  	_ =	shalt  }
0x86: {  	_ =	shalt  }
0x87: {  	_ =	shalt  }
.Lfunc_end0:
.L_simem_size_0:
called_computation.1_lowered:
.L_overlay_start_0:
0x88: {  	s2 =	sld [smem:$0x3FD9]  }
0x89: {  	s3 =	sld [smem:$0x3FFE];
	_ =	sdelay $0x1  }
0x8a: {  	s1 =	srdreg.scid  }
0x8b: {  	s0 =	sand.u32 $0x1, s1  }
0x8c: {  	s17 =	sshll.u32 s0, $0xA;
	s2 =	sadd.s32 s3, s2  }
0x8d: {  	s2 =	sadd.s32 s2, s17  }
0x8e: {  	[smem:$0x3FBD] =	sst s2  }
0x8f: {  	_ = 	snop  }
0x90: {  	s2 =	sld [smem:$0x3FD0];
	(tm) =	ssettm $0x1  }
0x91: {  	s18 =	sld [smem:$0x3FFB];
	_ =	sdelay $0x3  }
0x92: {  	_ =	strace s18  }
0x93: {  	s3 =	sld [smem:$0x3FFC];
	_ =	sdelay $0x3  }
0x94: {  	_ =	strace s3  }
0x95: {  	s3 =	sld [smem:$0x3FFD];
	_ =	sdelay $0x3  }
0x96: {  	_ =	strace s3  }
0x97: {  	_ =	strace $0x8FFFFFFF  }
0x98: {  	s19 =	sld [smem:$0x3FDB];
	_ =	sdelay $0x1  }
0x99: {  	s4 =	simm.s32 $_scs_section_size  }
0x9a: {  	s5 =	simm.s32 $_size__tile_overlayer_lowered;
	s6 =	simm.s32 $_tile_overlayer_lowered  }
0x9b: {  	s22 =	simm.s32 $0x1BFF;
	s21 =	sshll.u32 s6, $0x1;
	s3 =	sadd.s32 s4, s19  }
0x9c: {  	s7 =	simm.s32 $0x0;
	s20 =	sshll.u32 s5, $0x1;
	s5 =	sadd.s32 s21, s3  }
0x9d: {  	[timem:s7], [sflag:s22] =	dma.local [hbm:s5], s20  }
0x9e: {  	_ =	swait.ge [sflag:s22], s20  }
0x9f: {  	s4 =	ssub.s32 $0x0, s20;
	[sflag:s22] =	ssyncset.done $0x0  }
0xa0: {  	[sflag:s22] =	ssyncadd.s32 s4;
	_ =	sdelay $0x1  }
0xa1: {  	s23 =	simm.s32 $0x1B8B  }
0xa2: {  	_ =	swait.ge [sflag:s23], $0x1  }
0xa3: {  	[sflag:s23] =	ssyncset.done $0x0  }
0xa4: {  	s25 =	simm.s32 $0x1B8E;
	s24 =	sld [smem:$0x3FFE];
	[sflag:s23] =	ssyncadd.s32 $0xFFFFFFFF  }
0xa5: {  	s26 =	simm.s32 $execute0_lowered;
	[smem:$0x3FD2] =	sst s25  }
0xa6: {  	s5 =	sshll.u32 s26, $0x1;
	_ =	strace $0x80000049;
	[dreg:$0x1] =	wrdreg $0xFFFFFFFF  }
0xa7: {  	s28 =	simm.s32 $_size_execute0_lowered;
	s3 =	sadd.s32 s3, s5;
	[dreg:$0x0] =	wrdreg $0x0  }
0xa8: {  	s5 =	sshll.u32 s28, $0x1;
	[dreg:$0x2] =	wrdreg s3  }
0xa9: {  	[dreg:$0x3] =	wrdreg s5  }
0xaa: {  	[dreg:$0x4] =	wrdreg $0xC0  }
0xab: {  	_ =	task [dreg:s7], $0x5FFFF  }
0xac: {  	[dreg:$0x1] =	wrdreg $0xFFFFFFFF  }
0xad: {  	[dreg:$0x0] =	wrdreg $0x60  }
0xae: {  	[dreg:$0x2] =	wrdreg s2  }
0xaf: {  	[dreg:$0x3] =	wrdreg s24  }
0xb0: {  	[dreg:$0x4] =	wrdreg $0x98000  }
0xb1: {  	[dreg:$0x5] =	wrdreg $0x9  }
0xb2: {  	_ =	task.clear_ibuf [dreg:s7], $0x6FFFF;
	_ =	strace $0x90000049  }
0xb3: {  	s29 =	simm.s32 $0x9;
	_ =	strace $0x8000004B  }
0xb4: {  	_ =	swait.ge [sflag:s29], $0x1  }
0xb5: {  	[sflag:s29] =	ssyncadd.s32 $0xFFFFFFFF  }
0xb6: {  	_ =	strace $0x9000004B  }
0xb7: {  	_ =	sfence  }
0xb8: {  	s30 =	sld [smem:$0x0];
	_ =	sdelay $0x2  }
0xb9: {  	s31 =	sshll.u32 s1, $0xD;
	s1 =	sshrl.u32 s1, $0x2  }
0xba: {  	s3 =	sand.u32 $0x4000, s31;
	s1 =	sadd.s32 s1, s30  }
0xbb: {  	s0 =	sor.u32 s3, s0;
	s1 =	sshll.u32 s1, $0x11  }
0xbc: {  	s0 =	sor.u32 s1, s0  }
0xbd: {  	s0 =	sadd.s32 $0x8F2B, s0  }
0xbe: {  	[sflag:s0] =	ssyncadd.remote.s32 $0x1  }
0xbf: {  	_ =	sfence.sel $0xFFFF  }
0xc0: {  	[dreg:$0x0] =	wrdreg $0xFFFFFFFF;
	(pc) =	sbr.abs _section_cstart, $3  }
0xc1: {  	[dreg:$0x1] =	wrdreg $0xFFFFFFFF  }
0xc2: {  	_ =	task.clear_ibuf [dreg:s7], $0x2FFFF;
	_ =	strace $0x9FFFFFFF  }
0xc3: {  	(tm) =	ssettm $0x7FFFFFFF  }
tec
execute0_lowered:
.L_overlay_start_1:
0x0: {  	(tag) =	ssettag $0x1  }
0x1: {  	s1 =	rddreg [dreg:$0x0]  }
0x2: {  	s6 =	rddreg [dreg:$0x1]  }
0x3: {  	s0 =	srdreg.scid;
	s3 =	rddreg [dreg:$0x2];
	s4 =	simm.s32 $0x0  }
0x4: {  	s14 =	simm.s32 $0x80;
	s5 =	sand.u32 $0x1, s0;
	s0 =	stileid.u32  }
0x5: {  	s15 =	simm.s32 $0x5800;
	s16 =	simm.s32 $0x1;
	s8 =	smul.u32 $0x13C00, s0  }
0x6: {  	s17 =	simm.s32 $0x0;
	[smem:$0x7FF] =	sst s4;
	s9 =	smul.u32 $0x13C000, s5  }
0x7: {  	s2 =	sshll.u32 s5, $0x4;
	s5 =	ssub.s32 $0x2, s5;
	s29 =	smul.u32 $0x4F000, s0  }
0x8: {  	s31 =	sshll.u32 s0, $0x6;
	s2 =	sor.u32 s0, s2;
	s11 =	sshrl.u32 s5, $0x1  }
0x9: {  	s7 =	smul.u32 $0x580, s2;
	s2 =	rddreg [dreg:$0x3];
	_ =	strace $0x8000004A  }
0xa: {  	s28 =	sshrl.u32 s8, $0x3;
	s8 =	sadd.s32 s8, s9;
	s30 =	sshrl.u32 s29, $0x2  }
0xb: {  	s11 =	ssub.s32 s5, s11;
	s8 =	sshrl.u32 s8, $0x3;
	s13 =	sadd.s32 s30, s3  }
0xc: {  	s10 =	sadd.s32 s7, s6;
	s7 =	sadd.s32 s28, s6;
	s12 =	sadd.s32 s8, s6  }
0xd: {  	s6 =	sor.u32 $0x1C02, s31;
	s5 =	sadd.s32 $0x19600, s7;
	s7 =	sadd.s32 $0x3600, s10  }
0xe: {  	s8 =	sadd.s32 $0xE600, s10;
	s9 =	sadd.s32 $0x41600, s12;
	s10 =	smax.u32 s11, $0x1  }
0xf: {  	s11 =	sshrl.u32 s13, $0x3;
	s12 =	simm.s32 $0x2;
	s13 =	simm.s32 $0x2C00  }
.LBB2_1:
0x10: {  	[spmem:s11], [sflag:s6] =	dma.local [hbm:s5], $0x2780  }
0x11: {  	_ =	swait.ge [sflag:s12], $0x2780  }
0x12: {  	[sflag:s12] =	ssyncset.done $0x0  }
0x13: {  	[sflag:s12] =	ssyncadd.s32 $0xFFFFD880  }
0x14: {  	[tilespmem:s4], [sflag:$0x2] =	stream.linear.gather [hbm4b:s7+s4], $0x2880, $0x38;
	[tilespmem:$0x1D400] =	vst v63  }
0x15: {  	_ =	swait.ge [sflag:s12], $0x2880  }
0x16: {  	[sflag:s12] =	ssyncset.done $0x0  }
0x17: {  	[sflag:s12] =	ssyncadd.s32 $0xFFFFD780  }
0x18: {  	[tilespmem:s13], [sflag:$0x2] =	stream.linear.gather [hbm4b:s8+s4], $0x2880, $0x38;
	[tilespmem:$0x1D400] =	vst v63  }
0x19: {  	_ =	swait.ge [sflag:s12], $0x2880  }
0x1a: {  	[sflag:s12] =	ssyncset.done $0x0  }
0x1b: {  	[sflag:s12] =	ssyncadd.s32 $0xFFFFD780  }
0x1c: {  	s18 =	simm.s32 $0x0;
	[bflag:$0x0] =	sbarrier.arrive $0xFFFF  }
0x1d: {  	[tilespmem:s15], [sflag:$0x1] =	stream.indirect.gather [hbm4b:s1+s14], $0x80, s18, s14, $0xb8;
	[tilespmem:$0x1D400] =	vst v63  }
0x1e: {  	_ =	swait.ge [sflag:s16], $0x4000  }
0x1f: {  	[sflag:s16] =	ssyncset.done $0x0  }
0x20: {  	s31 =	simm.s32 $0x2C00;
	[sflag:s16] =	ssyncadd.s32 $0xFFFFC000  }
0x21: {  	[spmem:s3] =	stream.indirect.scatter.add.f32 [tilespmem:s15], [sflag:$0x2], $0x80, s31, s14, $0xb8;
	[tilespmem:$0x1D400] =	vst v63  }
0x22: {  	_ =	swait.ge [sflag:s12], $0x4000  }
0x23: {  	s19 =	simm.s32 $0x400;
	s18 =	simm.s32 $0x200;
	[sflag:s12] =	ssyncset.done $0x0  }
.LBB2_2:
0x24: {  	s20 =	sshra.s32 s18, $0x2  }
0x25: {  	[sflag:s12] =	ssyncadd.s32 $0xFFFFC000;
	s18 =	smov.u32 s19;
	s21 =	sadd.s32 $0x200, s19  }
0x26: {  	[tilespmem:s15], [sflag:$0x1] =	stream.indirect.gather [hbm4b:s1+s14], $0x80, s20, s14, $0xb8;
	[tilespmem:$0x1D400] =	vst v63  }
0x27: {  	p0 =	sne.s32 s19, $0xA000;
	_ =	swait.ge [sflag:s16], $0x4000  }
.Ltmp0:
0x28: {  	[sflag:s16] =	ssyncset.done $0x0;
	(pc) =	sbr.rel @p0 .LBB2_2-.Ltmp0, $4  }
0x29: {  	s19 =	sadd.s32 $0x2C00, s20;
	[sflag:s16] =	ssyncadd.s32 $0xFFFFC000  }
0x2a: {  	[spmem:s3] =	stream.indirect.scatter.add.f32 [tilespmem:s15], [sflag:$0x2], $0x80, s19, s14, $0xb8;
	[tilespmem:$0x1D400] =	vst v63  }
0x2b: {  	_ =	swait.ge [sflag:s12], $0x4000  }
0x2c: {  	s19 =	smov.u32 s21;
	[sflag:s12] =	ssyncset.done $0x0  }
0x2d: {  	s18 =	sshra.s32 s18, $0x2;
	[sflag:s12] =	ssyncadd.s32 $0xFFFFC000  }
0x2e: {  	[tilespmem:s15], [sflag:$0x1] =	stream.indirect.gather [hbm4b:s1+s14], $0x80, s18, s14, $0xb8;
	[tilespmem:$0x1D400] =	vst v63  }
0x2f: {  	_ =	swait.ge [sflag:s16], $0x4000  }
0x30: {  	[sflag:s16] =	ssyncset.done $0x0  }
0x31: {  	s18 =	sadd.s32 $0x2C00, s18;
	[sflag:s16] =	ssyncadd.s32 $0xFFFFC000  }
0x32: {  	[spmem:s3] =	stream.indirect.scatter.add.f32 [tilespmem:s15], [sflag:$0x2], $0x80, s18, s14, $0xb8;
	[tilespmem:$0x1D400] =	vst v63  }
0x33: {  	_ =	swait.ge [sflag:s12], $0x4000  }
0x34: {  	s17 =	sadd.s32 $0x1, s17;
	[sflag:s12] =	ssyncset.done $0x0  }
0x35: {  	p0 =	sne.s32 s17, s10;
	[sflag:s12] =	ssyncadd.s32 $0xFFFFC000  }
.Ltmp1:
0x36: {  	[bflag:$0x0] =	sbarrier.arrive $0xFFFF;
	(pc) =	sbr.rel @p0 .LBB2_1-.Ltmp1, $4  }
0x37: {  	[hbm:s9], [sflag:s6] =	dma.local [spmem:s11], $0x2780  }
0x38: {  	_ =	swait.ge [sflag:s12], $0x2780  }
0x39: {  	[sflag:s12] =	ssyncset.done $0x0  }
0x3a: {  	[sflag:s12] =	ssyncadd.s32 $0xFFFFD880  }
0x3b: {  	_ =	sfence.sel $0x180000  }
0x3c: {  	[bflag:$0x0] =	sbarrier.arrive $0xFFFF  }
0x3d: {  	p0 =	sne.s32 s0, $0x0;
	_ =	strace $0x9000004A  }
0x3e: {  	s0 =	sadd.s32 @!p0 $0x100000, s2;
	[bflag:$0x2] =	sbarrier.arrive $0xFFFF  }
0x3f: {  	[sflag:s0] =	ssyncadd.tile.s32 @!p0 $0x1;
	_ =	shalt  }
.Lfunc_end2:
_tile_overlayer_lowered:
.L_overlay_start_2:
0x40: {  	(tag) =	ssettag $0x2  }
0x41: {  	s0 =	rddreg [dreg:$0x0];
	s2 =	stileid.u32  }
0x42: {  	s1 =	rddreg [dreg:$0x1];
	p0 =	sne.s32 s2, $0x0  }
0x43: {  	s3 =	rddreg [dreg:$0x2];
	[bflag:$0x3] =	sbarrier.arrive $0xFFFF;
	s2 =	simm.s32 @!p0 $0x1C02  }
0x44: {  	[timem:s3], [sflag:s2] =	dma.local @!p0 [hbm:s0], s1  }
0x45: {  	s0 =	simm.s32 @!p0 $0x2  }
0x46: {  	_ =	swait.ge @!p0 [sflag:s0], s1  }
0x47: {  	s1 =	ssub.s32 @!p0 $0x0, s1;
	[sflag:s0] =	ssyncset.done @!p0 $0x0  }
0x48: {  	[sflag:s0] =	ssyncadd.s32 @!p0 s1  }
0x49: {  	[bflag:$0x3] =	sbarrier.arrive $0xFFFF  }
0x4a: {  	_ =	shalt  }

// kernel: kernel.7.cloned.1.call-start
scs
__scs_entry_jumppad:
0x0: {  	(pc) =	sbr.rel $0x88, $3  }
0x1: {  	(tag) =	ssettag $0x0;
	lr =	simm.s32 $0x1  }
0x2: {  	[smem:$0x3F96] =	sst lr;
	_ =	strace $0xD0000000  }
0x3: {  	_ = 	snop  }
0x4: {  	_ = 	snop  }
0x5: {  	_ = 	snop  }
0x6: {  	_ = 	snop  }
0x7: {  	_ = 	snop  }
__scs_overlays_trampoline_lowered:
0x8: {  	[smem:$0x3FA5] =	sst s0  }
0x9: {  	[smem:$0x3FA6] =	sst s1  }
0xa: {  	[smem:$0x3FA7] =	sst s2  }
0xb: {  	[smem:$0x3FA8] =	sst s3  }
0xc: {  	[smem:$0x3FA9] =	sst s4  }
0xd: {  	[smem:$0x3FAA] =	sst s5  }
0xe: {  	[smem:$0x3FAB] =	sst s6  }
0xf: {  	[smem:$0x3FAC] =	sst s7  }
0x10: {  	[smem:$0x3FAD] =	sst s8  }
0x11: {  	[smem:$0x3FAE] =	sst s9;
	s0 =	simm.s32 @!p0 $0x0  }
0x12: {  	s1 =	sld [smem:$0x3F94];
	s0 =	simm.s32 @p0 $0x1  }
0x13: {  	[smem:$0x3FAF] =	sst s0;
	s0 =	simm.s32 @!p1 $0x0  }
0x14: {  	s2 =	sld [smem:$0x3F93];
	s0 =	simm.s32 @p1 $0x1  }
0x15: {  	[smem:$0x3FB0] =	sst s0;
	s0 =	simm.s32 @!p2 $0x0  }
0x16: {  	s3 =	sld [smem:$0x3FDB];
	s0 =	simm.s32 @p2 $0x1  }
0x17: {  	s4 =	simm.s32 $0x1BF5;
	[smem:$0x3FB2] =	sst s0  }
0x18: {  	s0 =	sld [smem:$0x3F95];
	_ =	swait.ge [sflag:s4], $0x0  }
0x19: {  	s7 =	sld [smem:$0x3F96]  }
0x1a: {  	s8 =	sadd.s32 $0xFFFFE003, lr  }
0x1b: {  	s9 =	sadd.s32 $0xFFFFFEF7, lr;
	s5 =	simm.s32 $0xFFFFFFFF;
	p2 =	slt.u32 s8, $0xFFFFF086  }
0x1c: {  	p1 =	slt.u32 s9, $0xF7A;
	s5 =	simm.s32 @!p2 $0x0  }
0x1d: {  	s5 =	simm.s32 @p1 $0x1;
	p0 =	seq.s32 s7, s2  }
0x1e: {  	s7 =	smul.u32 @!p0 $0xF7A, s2;
	p2 =	seq.s32 @!p0 s5, $0x0  }
0x1f: {  	s9 =	smul.u32 $0xF7A, s1;
	s8 =	simm.s32 @!p0 $0x1BF5;
	p2 =	por !p2, p0  }
0x20: {  	[sflag:s8] =	ssyncset.s32 @!p0 $0xFFFFF086;
	s6 =	sadd.s32 @!p0 s3, s7;
	s7 =	simm.s32 @!p0 $0x108  }
0x21: {  	s3 =	sadd.s32 s3, s9;
	s6 =	sadd.s32 @!p0 $0x88, s6;
	s7 =	simm.s32 @p2 $0x1082  }
0x22: {  	[simem:s7], [sflag:s8] =	dma.local @!p0 [hbm:s6], $0xF7A  }
0x23: {  	s9 =	sor.u32 $0xD0000000, s2;
	s6 =	simm.s32 $0x108;
	_ =	swait.ge @!p0 [sflag:s8], $0x0  }
0x24: {  	s3 =	sadd.s32 $0x88, s3;
	s6 =	simm.s32 @!p1 $0x1082;
	[sflag:s4] =	ssyncset.s32 $0xFFFFF086  }
0x25: {  	[simem:s6], [sflag:s4] =	dma.local [hbm:s3], $0xF7A  }
0x26: {  	[smem:$0x3F96] =	sst s1;
	(tag) =	ssettag s2;
	_ =	strace s9  }
0x27: {  	s1 =	sld [smem:$0x3FA6]  }
0x28: {  	s2 =	sld [smem:$0x3FA7]  }
0x29: {  	s4 =	sld [smem:$0x3FA9]  }
0x2a: {  	p0 =	seq.s32 s5, $0x0;
	s5 =	sld [smem:$0x3FAA]  }
0x2b: {  	s6 =	sld [smem:$0x3FAB]  }
0x2c: {  	s7 =	sld [smem:$0x3FAC]  }
0x2d: {  	s3 =	simm.s32 $0x108;
	s8 =	sld [smem:$0x3FAD]  }
0x2e: {  	s3 =	simm.s32 @!p0 $0x1082;
	s9 =	sld [smem:$0x3FAE]  }
0x2f: {  	lr =	sadd.s32 s0, s3;
	s0 =	sld [smem:$0x3FA5]  }
0x30: {  	s3 =	sld [smem:$0x3FA8]  }
0x31: {  	[smem:$0x3FB1] =	sst s10  }
0x32: {  	s10 =	sld [smem:$0x3FAF];
	_ =	sdelay $0x3  }
0x33: {  	p0 =	seq.s32 s10, $0x1;
	s10 =	sld [smem:$0x3FB1];
	_ =	sdelay $0x3  }
0x34: {  	[smem:$0x3FB1] =	sst s10  }
0x35: {  	s10 =	sld [smem:$0x3FB0];
	_ =	sdelay $0x3  }
0x36: {  	p1 =	seq.s32 s10, $0x1;
	s10 =	sld [smem:$0x3FB1];
	_ =	sdelay $0x3  }
0x37: {  	[smem:$0x3FB1] =	sst s10  }
0x38: {  	s10 =	sld [smem:$0x3FB2]  }
0x39: {  	_ = 	snop;
	(pc) =	sbr.ind lr, $3  }
0x3a: {  	_ = 	snop  }
0x3b: {  	_ = 	snop  }
0x3c: {  	p2 =	seq.s32 s10, $0x1;
	s10 =	sld [smem:$0x3FB1]  }
0x3d: {  	_ =	shalt  }
0x3e: {  	_ =	shalt  }
0x3f: {  	_ =	shalt  }
0x40: {  	_ =	shalt  }
0x41: {  	_ =	shalt  }
0x42: {  	_ =	shalt  }
0x43: {  	_ =	shalt  }
0x44: {  	_ =	shalt  }
0x45: {  	_ =	shalt  }
0x46: {  	_ =	shalt  }
0x47: {  	_ =	shalt  }
0x48: {  	_ =	shalt  }
0x49: {  	_ =	shalt  }
0x4a: {  	_ =	shalt  }
0x4b: {  	_ =	shalt  }
0x4c: {  	_ =	shalt  }
0x4d: {  	_ =	shalt  }
0x4e: {  	_ =	shalt  }
0x4f: {  	_ =	shalt  }
0x50: {  	_ =	shalt  }
0x51: {  	_ =	shalt  }
0x52: {  	_ =	shalt  }
0x53: {  	_ =	shalt  }
0x54: {  	_ =	shalt  }
0x55: {  	_ =	shalt  }
0x56: {  	_ =	shalt  }
0x57: {  	_ =	shalt  }
0x58: {  	_ =	shalt  }
0x59: {  	_ =	shalt  }
0x5a: {  	_ =	shalt  }
0x5b: {  	_ =	shalt  }
0x5c: {  	_ =	shalt  }
0x5d: {  	_ =	shalt  }
0x5e: {  	_ =	shalt  }
0x5f: {  	_ =	shalt  }
0x60: {  	_ =	shalt  }
0x61: {  	_ =	shalt  }
0x62: {  	_ =	shalt  }
0x63: {  	_ =	shalt  }
0x64: {  	_ =	shalt  }
0x65: {  	_ =	shalt  }
0x66: {  	_ =	shalt  }
0x67: {  	_ =	shalt  }
0x68: {  	_ =	shalt  }
0x69: {  	_ =	shalt  }
0x6a: {  	_ =	shalt  }
0x6b: {  	_ =	shalt  }
0x6c: {  	_ =	shalt  }
0x6d: {  	_ =	shalt  }
0x6e: {  	_ =	shalt  }
0x6f: {  	_ =	shalt  }
0x70: {  	_ =	shalt  }
0x71: {  	_ =	shalt  }
0x72: {  	_ =	shalt  }
0x73: {  	_ =	shalt  }
0x74: {  	_ =	shalt  }
0x75: {  	_ =	shalt  }
0x76: {  	_ =	shalt  }
0x77: {  	_ =	shalt  }
0x78: {  	_ =	shalt  }
0x79: {  	_ =	shalt  }
0x7a: {  	_ =	shalt  }
0x7b: {  	_ =	shalt  }
0x7c: {  	_ =	shalt  }
0x7d: {  	_ =	shalt  }
0x7e: {  	_ =	shalt  }
0x7f: {  	_ =	shalt  }
0x80: {  	_ =	shalt  }
0x81: {  	_ =	shalt  }
0x82: {  	_ =	shalt  }
0x83: {  	_ =	shalt  }
0x84: {  	_ =	shalt  }
0x85: {  	_ =	shalt  }
0x86: {  	_ =	shalt  }
0x87: {  	_ =	shalt  }
.Lfunc_end0:
.L_simem_size_0:
called_computation_lowered:
.L_overlay_start_0:
0x88: {  	s2 =	sld [smem:$0x3FD9]  }
0x89: {  	s3 =	sld [smem:$0x3FFE];
	_ =	sdelay $0x1  }
0x8a: {  	s1 =	srdreg.scid  }
0x8b: {  	s0 =	sand.u32 $0x1, s1  }
0x8c: {  	s17 =	sshll.u32 s0, $0xA;
	s2 =	sadd.s32 s3, s2  }
0x8d: {  	s2 =	sadd.s32 s2, s17  }
0x8e: {  	[smem:$0x3FBD] =	sst s2  }
0x8f: {  	_ = 	snop  }
0x90: {  	s2 =	sld [smem:$0x3FD0];
	(tm) =	ssettm $0x1  }
0x91: {  	s18 =	sld [smem:$0x3FFB];
	_ =	sdelay $0x3  }
0x92: {  	_ =	strace s18  }
0x93: {  	s3 =	sld [smem:$0x3FFC];
	_ =	sdelay $0x3  }
0x94: {  	_ =	strace s3  }
0x95: {  	s3 =	sld [smem:$0x3FFD];
	_ =	sdelay $0x3  }
0x96: {  	_ =	strace s3  }
0x97: {  	_ =	strace $0x8FFFFFFF  }
0x98: {  	s19 =	sld [smem:$0x3FDB];
	_ =	sdelay $0x1  }
0x99: {  	s4 =	simm.s32 $_scs_section_size  }
0x9a: {  	s5 =	simm.s32 $_size__tile_overlayer_lowered;
	s6 =	simm.s32 $_tile_overlayer_lowered  }
0x9b: {  	s22 =	simm.s32 $0x1BFF;
	s21 =	sshll.u32 s6, $0x1;
	s3 =	sadd.s32 s4, s19  }
0x9c: {  	s7 =	simm.s32 $0x0;
	s20 =	sshll.u32 s5, $0x1;
	s5 =	sadd.s32 s21, s3  }
0x9d: {  	[timem:s7], [sflag:s22] =	dma.local [hbm:s5], s20  }
0x9e: {  	_ =	swait.ge [sflag:s22], s20  }
0x9f: {  	s4 =	ssub.s32 $0x0, s20;
	[sflag:s22] =	ssyncset.done $0x0  }
0xa0: {  	[sflag:s22] =	ssyncadd.s32 s4;
	_ =	sdelay $0x1  }
0xa1: {  	s23 =	simm.s32 $0x1B8B  }
0xa2: {  	_ =	swait.ge [sflag:s23], $0x1  }
0xa3: {  	[sflag:s23] =	ssyncset.done $0x0  }
0xa4: {  	s25 =	simm.s32 $0x1B8E;
	s24 =	sld [smem:$0x3FFE];
	[sflag:s23] =	ssyncadd.s32 $0xFFFFFFFF  }
0xa5: {  	s26 =	simm.s32 $execute0_lowered;
	[smem:$0x3FD2] =	sst s25  }
0xa6: {  	s5 =	sshll.u32 s26, $0x1;
	_ =	strace $0x80000046;
	[dreg:$0x1] =	wrdreg $0xFFFFFFFF  }
0xa7: {  	s28 =	simm.s32 $_size_execute0_lowered;
	s3 =	sadd.s32 s3, s5;
	[dreg:$0x0] =	wrdreg $0x0  }
0xa8: {  	s5 =	sshll.u32 s28, $0x1;
	[dreg:$0x2] =	wrdreg s3  }
0xa9: {  	[dreg:$0x3] =	wrdreg s5  }
0xaa: {  	[dreg:$0x4] =	wrdreg $0xC0  }
0xab: {  	_ =	task [dreg:s7], $0x5FFFF  }
0xac: {  	[dreg:$0x1] =	wrdreg $0xFFFFFFFF  }
0xad: {  	[dreg:$0x0] =	wrdreg $0x60  }
0xae: {  	[dreg:$0x2] =	wrdreg s2  }
0xaf: {  	[dreg:$0x3] =	wrdreg s24  }
0xb0: {  	[dreg:$0x4] =	wrdreg $0x98000  }
0xb1: {  	[dreg:$0x5] =	wrdreg $0x1D7000  }
0xb2: {  	[dreg:$0x6] =	wrdreg $0x9  }
0xb3: {  	_ =	task.clear_ibuf [dreg:s7], $0x7FFFF;
	_ =	strace $0x90000046  }
0xb4: {  	s29 =	simm.s32 $0x9;
	_ =	strace $0x80000048  }
0xb5: {  	_ =	swait.ge [sflag:s29], $0x1  }
0xb6: {  	[sflag:s29] =	ssyncadd.s32 $0xFFFFFFFF  }
0xb7: {  	_ =	strace $0x90000048  }
0xb8: {  	_ =	sfence  }
0xb9: {  	s30 =	sld [smem:$0x0];
	_ =	sdelay $0x2  }
0xba: {  	s31 =	sshll.u32 s1, $0xD;
	s1 =	sshrl.u32 s1, $0x2  }
0xbb: {  	s3 =	sand.u32 $0x4000, s31;
	s1 =	sadd.s32 s1, s30  }
0xbc: {  	s0 =	sor.u32 s3, s0;
	s1 =	sshll.u32 s1, $0x11  }
0xbd: {  	s0 =	sor.u32 s1, s0  }
0xbe: {  	s0 =	sadd.s32 $0x8F2B, s0  }
0xbf: {  	[sflag:s0] =	ssyncadd.remote.s32 $0x1  }
0xc0: {  	_ =	sfence.sel $0xFFFF  }
0xc1: {  	[dreg:$0x0] =	wrdreg $0xFFFFFFFF;
	(pc) =	sbr.abs _section_cstart, $3  }
0xc2: {  	[dreg:$0x1] =	wrdreg $0xFFFFFFFF  }
0xc3: {  	_ =	task.clear_ibuf [dreg:s7], $0x2FFFF;
	_ =	strace $0x9FFFFFFF  }
0xc4: {  	(tm) =	ssettm $0x7FFFFFFF  }
0xc5: {  	_ =	shalt  }
tec
execute0_lowered:
.L_overlay_start_1:
0x0: {  	(tag) =	ssettag $0x1  }
0x1: {  	s0 =	rddreg [dreg:$0x0];
	s1 =	srdreg.scid  }
0x2: {  	s7 =	rddreg [dreg:$0x1];
	s8 =	sand.u32 $0x1, s1;
	s1 =	stileid.u32  }
0x3: {  	s3 =	rddreg [dreg:$0x2];
	s9 =	smul.u32 $0x13C00, s1  }
0x4: {  	s4 =	rddreg [dreg:$0x3];
	s5 =	simm.s32 $0x0;
	s10 =	smul.u32 $0x278, s1  }
0x5: {  	s20 =	simm.s32 $0x2C00;
	s21 =	simm.s32 $0x80;
	s11 =	smul.u32 $0x13C000, s8  }
0x6: {  	s22 =	simm.s32 $0x5800;
	[smem:$0x7FF] =	sst s5;
	s14 =	smul.u32 $0x2780, s8  }
0x7: {  	s2 =	sshll.u32 s8, $0x4;
	s26 =	smul.u32 $0x4F000, s1;
	s8 =	ssub.s32 $0x2, s8  }
0x8: {  	s31 =	sshll.u32 s1, $0x6;
	s6 =	sor.u32 s1, s2;
	s2 =	rddreg [dreg:$0x4]  }
0x9: {  	_ =	strace $0x80000047;
	s29 =	sshrl.u32 s8, $0x1;
	s6 =	smul.u32 $0x580, s6  }
0xa: {  	s23 =	sshrl.u32 s9, $0x3;
	s24 =	sshrl.u32 s10, $0x3;
	s9 =	sadd.s32 s9, s11  }
0xb: {  	s25 =	sadd.s32 s10, s14;
	s30 =	sshrl.u32 s26, $0x2;
	s18 =	ssub.s32 s8, s29  }
0xc: {  	s8 =	sor.u32 $0x1C02, s31;
	s10 =	sadd.s32 s10, s4;
	s13 =	sadd.s32 s23, s7  }
0xd: {  	s15 =	sadd.s32 s24, s7;
	s9 =	sshrl.u32 s9, $0x3;
	s28 =	sshrl.u32 s25, $0x3  }
0xe: {  	s19 =	sadd.s32 s30, s3;
	s23 =	simm.s32 $0x1;
	s24 =	simm.s32 $0x0  }
0xf: {  	s12 =	sadd.s32 s6, s7;
	s6 =	sadd.s32 $0x41400, s7;
	s16 =	sadd.s32 s9, s7  }
0x10: {  	s17 =	sadd.s32 s28, s7;
	s7 =	sadd.s32 $0x19600, s13;
	s9 =	sadd.s32 $0x40E00, s15  }
0x11: {  	s15 =	smax.u32 s18, $0x1;
	s18 =	simm.s32 $0x1D480;
	s11 =	sadd.s32 $0x3600, s12  }
0x12: {  	s12 =	sadd.s32 $0xE600, s12;
	s13 =	sadd.s32 $0x42000, s16;
	s14 =	sadd.s32 $0x41600, s17  }
0x13: {  	s16 =	sshrl.u32 s19, $0x3;
	s17 =	simm.s32 $0x2;
	s19 =	simm.s32 $0x1D400  }
.LBB2_1:
0x14: {  	[spmem:s16], [sflag:s8] =	dma.local [hbm:s7], $0x2780  }
0x15: {  	_ =	swait.ge [sflag:s17], $0x2780  }
0x16: {  	[sflag:s17] =	ssyncset.done $0x0  }
0x17: {  	[sflag:s17] =	ssyncadd.s32 $0xFFFFD880  }
0x18: {  	[tilespmem:s18], [sflag:$0x2] =	stream.linear.gather [hbm4b:s9+s5], $0x278, $0x38;
	[tilespmem:$0x1D978] =	vst v63  }
0x19: {  	_ =	swait.ge [sflag:s17], $0x278  }
0x1a: {  	[sflag:s17] =	ssyncset.done $0x0  }
0x1b: {  	[sflag:s17] =	ssyncadd.s32 $0xFFFFFD88  }
0x1c: {  	[spmem:s10] =	stream.linear.scatter [tilespmem:s18], [sflag:$0x2], $0x278, $0x38;
	[tilespmem:$0x1D978] =	vst v63  }
0x1d: {  	_ =	swait.ge [sflag:s17], $0x278  }
0x1e: {  	[sflag:s17] =	ssyncset.done $0x0  }
0x1f: {  	[sflag:s17] =	ssyncadd.s32 $0xFFFFFD88  }
0x20: {  	[tilespmem:s19], [sflag:$0x2] =	stream.linear.gather [hbm4b:s6+s5], $0x80, $0x38;
	[tilespmem:$0x1D978] =	vst v63  }
0x21: {  	_ =	swait.ge [sflag:s17], $0x80  }
0x22: {  	[sflag:s17] =	ssyncset.done $0x0  }
0x23: {  	[sflag:s17] =	ssyncadd.s32 $0xFFFFFF80  }
0x24: {  	[tilespmem:s5], [sflag:$0x2] =	stream.linear.gather [hbm4b:s11+s5], $0x2880, $0x38;
	[tilespmem:$0x1D978] =	vst v63  }
0x25: {  	_ =	swait.ge [sflag:s17], $0x2880  }
0x26: {  	[sflag:s17] =	ssyncset.done $0x0  }
0x27: {  	[sflag:s17] =	ssyncadd.s32 $0xFFFFD780  }
0x28: {  	[tilespmem:s20], [sflag:$0x2] =	stream.linear.gather [hbm4b:s12+s5], $0x2880, $0x38;
	[tilespmem:$0x1D978] =	vst v63  }
0x29: {  	_ =	swait.ge [sflag:s17], $0x2880  }
0x2a: {  	[sflag:s17] =	ssyncset.done $0x0  }
0x2b: {  	[sflag:s17] =	ssyncadd.s32 $0xFFFFD780  }
0x2c: {  	s25 =	simm.s32 $0x0;
	[bflag:$0x0] =	sbarrier.arrive $0xFFFF  }
0x2d: {  	[tilespmem:s22], [sflag:$0x1] =	stream.indirect.gather [hbm4b:s0+s21], $0x80, s25, s21, $0xb8;
	[tilespmem:$0x1D978] =	vst v63  }
0x2e: {  	_ =	swait.ge [sflag:s23], $0x4000  }
0x2f: {  	[sflag:s23] =	ssyncset.done $0x0  }
0x30: {  	s31 =	simm.s32 $0x2C00;
	[sflag:s23] =	ssyncadd.s32 $0xFFFFC000  }
0x31: {  	[spmem:s3] =	stream.indirect.scatter.add.f32 [tilespmem:s22], [sflag:$0x2], $0x80, s31, s21, $0xb8;
	[tilespmem:$0x1D978] =	vst v63  }
0x32: {  	_ =	swait.ge [sflag:s17], $0x4000  }
0x33: {  	[sflag:s17] =	ssyncset.done $0x0  }
0x34: {  	[sflag:s17] =	ssyncadd.s32 $0xFFFFC000  }
0x35: {  	[spmem:s4] =	stream.indirect.scatter.add.f32 [tilespmem:s19], [sflag:$0x2], $0x1, s31, s21, $0xb8;
	[tilespmem:$0x1D978] =	vst v63  }
0x36: {  	_ =	swait.ge [sflag:s17], $0x80  }
0x37: {  	s26 =	simm.s32 $0x400;
	s25 =	simm.s32 $0x200;
	[sflag:s17] =	ssyncset.done $0x0  }
.LBB2_2:
0x38: {  	s28 =	sshra.s32 s25, $0x2  }
0x39: {  	[sflag:s17] =	ssyncadd.s32 $0xFFFFFF80;
	s25 =	smov.u32 s26;
	s29 =	sadd.s32 $0x200, s26  }
0x3a: {  	[tilespmem:s22], [sflag:$0x1] =	stream.indirect.gather [hbm4b:s0+s21], $0x80, s28, s21, $0xb8;
	[tilespmem:$0x1D978] =	vst v63  }
0x3b: {  	p0 =	sne.s32 s26, $0xA000;
	_ =	swait.ge [sflag:s23], $0x4000  }
0x3c: {  	[sflag:s23] =	ssyncset.done $0x0  }
0x3d: {  	s26 =	sadd.s32 $0x2C00, s28;
	[sflag:s23] =	ssyncadd.s32 $0xFFFFC000  }
0x3e: {  	[spmem:s3] =	stream.indirect.scatter.add.f32 [tilespmem:s22], [sflag:$0x2], $0x80, s26, s21, $0xb8;
	[tilespmem:$0x1D978] =	vst v63  }
0x3f: {  	_ =	swait.ge [sflag:s17], $0x4000  }
.Ltmp0:
0x40: {  	[sflag:s17] =	ssyncset.done $0x0;
	(pc) =	sbr.rel @p0 .LBB2_2-.Ltmp0, $4  }
0x41: {  	[sflag:s17] =	ssyncadd.s32 $0xFFFFC000  }
0x42: {  	[spmem:s4] =	stream.indirect.scatter.add.f32 [tilespmem:s19], [sflag:$0x2], $0x1, s26, s21, $0xb8;
	[tilespmem:$0x1D978] =	vst v63  }
0x43: {  	_ =	swait.ge [sflag:s17], $0x80  }
0x44: {  	s26 =	smov.u32 s29;
	[sflag:s17] =	ssyncset.done $0x0  }
0x45: {  	s25 =	sshra.s32 s25, $0x2;
	[sflag:s17] =	ssyncadd.s32 $0xFFFFFF80  }
0x46: {  	[tilespmem:s22], [sflag:$0x1] =	stream.indirect.gather [hbm4b:s0+s21], $0x80, s25, s21, $0xb8;
	[tilespmem:$0x1D978] =	vst v63  }
0x47: {  	_ =	swait.ge [sflag:s23], $0x4000  }
0x48: {  	[sflag:s23] =	ssyncset.done $0x0  }
0x49: {  	s25 =	sadd.s32 $0x2C00, s25;
	[sflag:s23] =	ssyncadd.s32 $0xFFFFC000  }
0x4a: {  	[spmem:s3] =	stream.indirect.scatter.add.f32 [tilespmem:s22], [sflag:$0x2], $0x80, s25, s21, $0xb8;
	[tilespmem:$0x1D978] =	vst v63  }
0x4b: {  	_ =	swait.ge [sflag:s17], $0x4000  }
0x4c: {  	[sflag:s17] =	ssyncset.done $0x0  }
0x4d: {  	[sflag:s17] =	ssyncadd.s32 $0xFFFFC000  }
0x4e: {  	[spmem:s4] =	stream.indirect.scatter.add.f32 [tilespmem:s19], [sflag:$0x2], $0x1, s25, s21, $0xb8;
	[tilespmem:$0x1D978] =	vst v63  }
0x4f: {  	_ =	swait.ge [sflag:s17], $0x80  }
0x50: {  	[sflag:s17] =	ssyncset.done $0x0  }
0x51: {  	[sflag:s17] =	ssyncadd.s32 $0xFFFFFF80  }
0x52: {  	[bflag:$0x0] =	sbarrier.arrive $0xFFFF  }
0x53: {  	[hbm:s13], [sflag:s8] =	dma.local [spmem:s16], $0x2780  }
0x54: {  	_ =	swait.ge [sflag:s17], $0x2780  }
0x55: {  	[sflag:s17] =	ssyncset.done $0x0  }
0x56: {  	[sflag:s17] =	ssyncadd.s32 $0xFFFFD880  }
0x57: {  	[tilespmem:s18], [sflag:$0x2] =	stream.linear.gather [spmem:s10], $0x278, $0x38;
	[tilespmem:$0x1D978] =	vst v63  }
0x58: {  	s24 =	sadd.s32 $0x1, s24;
	_ =	swait.ge [sflag:s17], $0x278  }
0x59: {  	p0 =	sne.s32 s24, s15;
	[sflag:s17] =	ssyncset.done $0x0  }
.Ltmp1:
0x5a: {  	[sflag:s17] =	ssyncadd.s32 $0xFFFFFD88;
	(pc) =	sbr.rel @p0 .LBB2_1-.Ltmp1, $4  }
0x5b: {  	[hbm4b:s14+s5] =	stream.linear.scatter [tilespmem:s18], [sflag:$0x2], $0x278, $0x38;
	[tilespmem:$0x1D978] =	vst v63  }
0x5c: {  	_ =	swait.ge [sflag:s17], $0x278  }
0x5d: {  	[sflag:s17] =	ssyncset.done $0x0  }
0x5e: {  	[sflag:s17] =	ssyncadd.s32 $0xFFFFFD88  }
0x5f: {  	_ =	sfence.sel $0x180000  }
0x60: {  	[bflag:$0x0] =	sbarrier.arrive $0xFFFF  }
0x61: {  	p0 =	sne.s32 s1, $0x0;
	_ =	strace $0x90000047  }
0x62: {  	s0 =	sadd.s32 @!p0 $0x100000, s2;
	[bflag:$0x2] =	sbarrier.arrive $0xFFFF  }
0x63: {  	[sflag:s0] =	ssyncadd.tile.s32 @!p0 $0x1;
	_ =	shalt  }
.Lfunc_end2:
_tile_overlayer_lowered:
.L_overlay_start_2:
0x64: {  	(tag) =	ssettag $0x2  }
0x65: {  	s0 =	rddreg [dreg:$0x0];
	s2 =	stileid.u32  }
0x66: {  	s1 =	rddreg [dreg:$0x1];
	p0 =	sne.s32 s2, $0x0  }
0x67: {  	s3 =	rddreg [dreg:$0x2];
	[bflag:$0x3] =	sbarrier.arrive $0xFFFF;
	s2 =	simm.s32 @!p0 $0x1C02  }
0x68: {  	[timem:s3], [sflag:s2] =	dma.local @!p0 [hbm:s0], s1  }
0x69: {  	s0 =	simm.s32 @!p0 $0x2  }
0x6a: {  	_ =	swait.ge @!p0 [sflag:s0], s1  }
0x6b: {  	s1 =	ssub.s32 @!p0 $0x0, s1;
	[sflag:s0] =	ssyncset.done @!p0 $0x0  }
0x6c: {  	[sflag:s0] =	ssyncadd.s32 @!p0 s1  }
0x6d: {  	[bflag:$0x3] =	sbarrier.arrive $0xFFFF  }
0x6e: {  	_ =	shalt  }

</sc_bundles>
